<compile_context>
chip_gen: v7x
topology: tpu7x:2x2x1
jax: 0.10.2.dev20260603
libtpu: 0.0.44.dev20260713+nightly
codegen_flags: <defaults>
</compile_context>

<pallas_src>
import functools

import jax
import jax.numpy as jnp
from jax import lax
from jax.experimental import pallas as pl
from jax.experimental.pallas import tpu as pltpu
from jax.experimental.pallas import tpu_sc as plsc

NC = 2
NS = 16
NW = NC * NS

CHUNK = 256
NBUF = 4
LAG = 2


@functools.partial(jax.jit, static_argnames=("n_idx", "embed"))
def _sc_gather(idx_flat, table, *, n_idx, embed):
    n_per_w = n_idx // NW
    n_chunks = n_per_w // CHUNK
    n_groups = n_chunks // NBUF
    idx_3d = idx_flat.reshape(NW, n_chunks, CHUNK)

    mesh = plsc.VectorSubcoreMesh(
        core_axis_name="c", subcore_axis_name="s",
        num_cores=NC, num_subcores=NS)

    @functools.partial(
        pl.kernel,
        out_type=jax.ShapeDtypeStruct((n_idx, 2 * embed), jnp.float32),
        mesh=mesh,
        scratch_types=[
            pltpu.VMEM((n_chunks, CHUNK), jnp.int32),
            pltpu.VMEM((NBUF, CHUNK, embed), jnp.float32),
            pltpu.SemaphoreType.DMA((NBUF,)),
            pltpu.SemaphoreType.DMA((NBUF,)),
        ],
        compiler_params=pltpu.CompilerParams(use_tc_tiling_on_sc=False),
    )
    def body(idx_hbm, table_hbm, out_hbm, idx_v, rows_v, gsems, wsems):
        wid = lax.axis_index("s") * NC + lax.axis_index("c")
        base = wid * n_per_w
        pltpu.sync_copy(idx_hbm.at[wid], idx_v)

        def gather(j, b):
            return pltpu.make_async_copy(
                table_hbm.at[idx_v.at[j]], rows_v.at[b], gsems.at[b])

        def write(j, b):
            return pltpu.make_async_copy(
                rows_v.at[b],
                out_hbm.at[pl.ds(base + j * CHUNK, CHUNK), pl.ds(0, embed)],
                wsems.at[b])

        for b in range(LAG):
            gather(b, b).start()

        def group(g, carry):
            for b in range(NBUF):
                j = g * NBUF + b
                bg = (b + LAG) % NBUF
                jg = j + LAG
                @pl.when(jg >= NBUF)
                def _():
                    write(jg - NBUF, bg).wait()
                @pl.when(jg < n_chunks)
                def _():
                    gather(jg, bg).start()
                gather(j, b).wait()
                write(j, b).start()
            return carry

        lax.fori_loop(0, n_groups, group, 0)
        for i in range(NBUF - LAG):
            j = n_chunks - (NBUF - LAG) + i
            write(j, j % NBUF).wait()

    return body(idx_3d, table)


def kernel(inputs, table):
    bsz, seq = inputs.shape
    vocab, embed = table.shape
    n_idx = bsz * seq
    out = _sc_gather(inputs.reshape(n_idx), table, n_idx=n_idx, embed=embed)
    return out[:, :embed].reshape(bsz, seq, embed)

# --- scband reference (transcript-rebuilt; emitter-appended) ---
"""Pipeline reference for scband-model-embeddings-74268574482519 (READ-ONLY COPY).

The authoritative reference and input builder live on the scoring server;
editing this copy changes nothing except your own understanding.
"""

import jax, jax.numpy as jnp
import numpy as np

VOCAB = 1000000
EMBED = 64
PAD_IDX = 0

def setup_inputs(seed: int = 0) -> dict:
    key = jax.random.key(seed)
    k1, k2 = jax.random.split(key)
    inputs = jax.random.randint(k1, (4096, 200), 0, VOCAB, dtype=jnp.int32)
    table = jax.random.normal(k2, (VOCAB, EMBED), dtype=jnp.float32) * 0.02
    # nn.Embedding with padding_idx initializes that row to zeros
    table = table.at[PAD_IDX].set(0.0)
    return {"inputs": inputs, "table": table}

def reference(inputs, table):
    # nn.Embedding forward == row gather from the weight table
    return jnp.take(table, inputs, axis=0)

if __name__ == "__main__":
    import jax
    _d = setup_inputs()
    print(jax.jit(kernel)(*tuple(_d.values())))

</pallas_src>

<mosaic_0001>
#map = affine_map<(d0, d1) -> (0, 0, 0)>
#map1 = affine_map<(d0, d1) -> (0, 0)>
module attributes {stable_mosaic.version = 14 : i64} {
  func.func @body(%arg0: i32, %arg1: i32, %arg2: memref<32x100x256xi32, #tpu.memory_space<hbm>>, %arg3: memref<1000000x64xf32, #tpu.memory_space<hbm>>, %arg4: memref<819200x128xf32, #tpu.memory_space<hbm>>, %arg5: memref<100x256xi32, #tpu.memory_space<vmem>>, %arg6: memref<4x256x64xf32, #tpu.memory_space<vmem>>, %arg7: memref<4x!tpu.dma_semaphore, #tpu.memory_space<semaphore_mem>>, %arg8: memref<4x!tpu.dma_semaphore, #tpu.memory_space<semaphore_mem>>) attributes {dimension_semantics = [#tpu.dimension_semantics<core_parallel>, #tpu.dimension_semantics<subcore_parallel>], iteration_bounds = array<i64: 2, 16>, scalar_prefetch = 0 : i64, scratch_operands = 4 : i64, tpu.core_type = #tpu.core_type<sc_vector_subcore>, window_params = [{transform_indices = #map}, {transform_indices = #map1}, {transform_indices = #map1}]} {
    %mul3A = arith.constant 2 : i32
    %mul3A_0 = arith.muli %arg1, %mul3A : i32
    %add3A = arith.addi %mul3A_0, %arg0 : i32
    %mul3A_1 = arith.constant 25600 : i32
    %mul3A_2 = arith.muli %add3A, %mul3A_1 : i32
    "tpu.region"() ({
      %run_scoped3A = tpu.sem_alloc : memref<!tpu.dma_semaphore, #tpu.memory_space<semaphore_mem>>
      %dma_start3A_72 = arith.constant 0 : i32
      %dma_start3A_73 = arith.constant 0 : i32
      %dma_start3A_74 = tpu.memref_slice %arg2[%add3A, %dma_start3A_72, %dma_start3A_73] : memref<32x100x256xi32, #tpu.memory_space<hbm>> -> memref<1x100x256xi32, #tpu.memory_space<hbm>>
      %dma_start3A_75 = tpu.memref_squeeze %dma_start3A_74 : memref<1x100x256xi32, #tpu.memory_space<hbm>> -> memref<100x256xi32, #tpu.memory_space<hbm>>
      %dma_start3A_76 = arith.constant 0 : i32
      %dma_start3A_77 = arith.constant 0 : i32
      %dma_start3A_78 = tpu.memref_slice %arg2[%add3A, %dma_start3A_76, %dma_start3A_77] : memref<32x100x256xi32, #tpu.memory_space<hbm>> -> memref<1x100x256xi32, #tpu.memory_space<hbm>>
      %dma_start3A_79 = tpu.memref_squeeze %dma_start3A_78 : memref<1x100x256xi32, #tpu.memory_space<hbm>> -> memref<100x256xi32, #tpu.memory_space<hbm>>
      tpu.enqueue_dma source(%dma_start3A_79 : memref<100x256xi32, #tpu.memory_space<hbm>>) target(%arg5 : memref<100x256xi32, #tpu.memory_space<vmem>>) target_semaphore(%run_scoped3A : memref<!tpu.dma_semaphore, #tpu.memory_space<semaphore_mem>>)
      %dma_wait3A_80 = arith.constant 0 : i32
      %dma_wait3A_81 = arith.constant 0 : i32
      %dma_wait3A_82 = tpu.memref_slice %arg2[%add3A, %dma_wait3A_80, %dma_wait3A_81] : memref<32x100x256xi32, #tpu.memory_space<hbm>> -> memref<1x100x256xi32, #tpu.memory_space<hbm>>
      %dma_wait3A_83 = tpu.memref_squeeze %dma_wait3A_82 : memref<1x100x256xi32, #tpu.memory_space<hbm>> -> memref<100x256xi32, #tpu.memory_space<hbm>>
      %dma_wait3A_84 = arith.constant 0 : i32
      %dma_wait3A_85 = arith.constant 0 : i32
      %dma_wait3A_86 = tpu.memref_slice %arg2[%add3A, %dma_wait3A_84, %dma_wait3A_85] : memref<32x100x256xi32, #tpu.memory_space<hbm>> -> memref<1x100x256xi32, #tpu.memory_space<hbm>>
      %dma_wait3A_87 = tpu.memref_squeeze %dma_wait3A_86 : memref<1x100x256xi32, #tpu.memory_space<hbm>> -> memref<100x256xi32, #tpu.memory_space<hbm>>
      tpu.wait_dma2 semaphore(%run_scoped3A : memref<!tpu.dma_semaphore, #tpu.memory_space<semaphore_mem>>) src(%dma_wait3A_87 : memref<100x256xi32, #tpu.memory_space<hbm>>) dst(%arg5 : memref<100x256xi32, #tpu.memory_space<vmem>>)
      tpu.yield
    }) : () -> ()
    %dma_start3A = arith.constant 0 : i32
    %dma_start3A_3 = arith.constant 0 : i32
    %dma_start3A_4 = arith.constant 0 : i32
    %dma_start3A_5 = arith.constant 0 : i32
    %dma_start3A_6 = arith.constant 0 : i32
    %dma_start3A_7 = tpu.memref_slice %arg6[%dma_start3A_3, %dma_start3A_5, %dma_start3A_6] : memref<4x256x64xf32, #tpu.memory_space<vmem>> -> memref<1x256x64xf32, #tpu.memory_space<vmem>>
    %dma_start3A_8 = tpu.memref_squeeze %dma_start3A_7 : memref<1x256x64xf32, #tpu.memory_space<vmem>> -> memref<256x64xf32, #tpu.memory_space<vmem>>
    %dma_start3A_9 = arith.constant 0 : i32
    %dma_start3A_10 = tpu.memref_slice %arg5[%dma_start3A, %dma_start3A_9] : memref<100x256xi32, #tpu.memory_space<vmem>> -> memref<1x256xi32, #tpu.memory_space<vmem>>
    %dma_start3A_11 = tpu.memref_squeeze %dma_start3A_10 : memref<1x256xi32, #tpu.memory_space<vmem>> -> memref<256xi32, #tpu.memory_space<vmem>>
    %dma_start3A_12 = arith.constant 0 : i32
    %dma_start3A_13 = arith.constant 0 : i32
    %dma_start3A_14 = tpu.memref_slice %arg3[%dma_start3A_12, %dma_start3A_13] : memref<1000000x64xf32, #tpu.memory_space<hbm>> -> memref<1000000x64xf32, #tpu.memory_space<hbm>>
    %dma_start3A_15 = tpu.memref_slice %arg7[%dma_start3A_4] : memref<4x!tpu.dma_semaphore, #tpu.memory_space<semaphore_mem>> -> memref<1x!tpu.dma_semaphore, #tpu.memory_space<semaphore_mem>>
    %dma_start3A_16 = tpu.memref_squeeze %dma_start3A_15 : memref<1x!tpu.dma_semaphore, #tpu.memory_space<semaphore_mem>> -> memref<!tpu.dma_semaphore, #tpu.memory_space<semaphore_mem>>
    tpu.enqueue_indirect_dma source(%dma_start3A_14 : memref<1000000x64xf32, #tpu.memory_space<hbm>>) target(%dma_start3A_8 : memref<256x64xf32, #tpu.memory_space<vmem>>) offsets(%dma_start3A_11 : memref<256xi32, #tpu.memory_space<vmem>>) semaphore(%dma_start3A_16 : memref<!tpu.dma_semaphore, #tpu.memory_space<semaphore_mem>>)
    %dma_start3A_17 = arith.constant 1 : i32
    %dma_start3A_18 = arith.constant 1 : i32
    %dma_start3A_19 = arith.constant 1 : i32
    %dma_start3A_20 = arith.constant 0 : i32
    %dma_start3A_21 = arith.constant 0 : i32
    %dma_start3A_22 = tpu.memref_slice %arg6[%dma_start3A_18, %dma_start3A_20, %dma_start3A_21] : memref<4x256x64xf32, #tpu.memory_space<vmem>> -> memref<1x256x64xf32, #tpu.memory_space<vmem>>
    %dma_start3A_23 = tpu.memref_squeeze %dma_start3A_22 : memref<1x256x64xf32, #tpu.memory_space<vmem>> -> memref<256x64xf32, #tpu.memory_space<vmem>>
    %dma_start3A_24 = arith.constant 0 : i32
    %dma_start3A_25 = tpu.memref_slice %arg5[%dma_start3A_17, %dma_start3A_24] : memref<100x256xi32, #tpu.memory_space<vmem>> -> memref<1x256xi32, #tpu.memory_space<vmem>>
    %dma_start3A_26 = tpu.memref_squeeze %dma_start3A_25 : memref<1x256xi32, #tpu.memory_space<vmem>> -> memref<256xi32, #tpu.memory_space<vmem>>
    %dma_start3A_27 = arith.constant 0 : i32
    %dma_start3A_28 = arith.constant 0 : i32
    %dma_start3A_29 = tpu.memref_slice %arg3[%dma_start3A_27, %dma_start3A_28] : memref<1000000x64xf32, #tpu.memory_space<hbm>> -> memref<1000000x64xf32, #tpu.memory_space<hbm>>
    %dma_start3A_30 = tpu.memref_slice %arg7[%dma_start3A_19] : memref<4x!tpu.dma_semaphore, #tpu.memory_space<semaphore_mem>> -> memref<1x!tpu.dma_semaphore, #tpu.memory_space<semaphore_mem>>
    %dma_start3A_31 = tpu.memref_squeeze %dma_start3A_30 : memref<1x!tpu.dma_semaphore, #tpu.memory_space<semaphore_mem>> -> memref<!tpu.dma_semaphore, #tpu.memory_space<semaphore_mem>>
    tpu.enqueue_indirect_dma source(%dma_start3A_29 : memref<1000000x64xf32, #tpu.memory_space<hbm>>) target(%dma_start3A_23 : memref<256x64xf32, #tpu.memory_space<vmem>>) offsets(%dma_start3A_26 : memref<256xi32, #tpu.memory_space<vmem>>) semaphore(%dma_start3A_31 : memref<!tpu.dma_semaphore, #tpu.memory_space<semaphore_mem>>)
    %scan3A = arith.constant 0 : i32
    %scan3A_32 = arith.constant 0 : i32
    %scan3A_33 = arith.constant 25 : i32
    %scan3A_34 = arith.addi %scan3A_32, %scan3A_33 : i32
    %scan3A_35 = arith.constant 1 : i32
    scf.for %scan3A_72 = %scan3A_32 to %scan3A_34 step %scan3A_35  : i32 {
      %mul3A_73 = arith.constant 4 : i32
      %mul3A_74 = arith.muli %scan3A_72, %mul3A_73 : i32
      %add3A_75 = arith.constant 0 : i32
      %add3A_76 = arith.addi %mul3A_74, %add3A_75 : i32
      %add3A_77 = arith.constant 2 : i32
      %add3A_78 = arith.addi %add3A_76, %add3A_77 : i32
      %ge3A = arith.constant 4 : i32
      %ge3A_79 = arith.cmpi sge, %add3A_78, %ge3A : i32
      %convert_element_type3A = arith.extui %ge3A_79 : i1 to i32
      %cond3A = arith.constant 0 : i32
      %cond3A_80 = arith.cmpi ne, %convert_element_type3A, %cond3A : i32
      scf.if %cond3A_80 {
        %sub3A = arith.constant 4 : i32
        %sub3A_265 = arith.subi %add3A_78, %sub3A : i32
        %mul3A_266 = arith.constant 256 : i32
        %mul3A_267 = arith.muli %sub3A_265, %mul3A_266 : i32
        %add3A_268 = arith.addi %mul3A_2, %mul3A_267 : i32
        %dma_wait3A_269 = arith.constant 2 : i32
        %dma_wait3A_270 = arith.constant 2 : i32
        %dma_wait3A_271 = arith.constant 0 : i32
        %dma_wait3A_272 = arith.constant 0 : i32
        %dma_wait3A_273 = tpu.memref_slice %arg6[%dma_wait3A_269, %dma_wait3A_271, %dma_wait3A_272] : memref<4x256x64xf32, #tpu.memory_space<vmem>> -> memref<1x256x64xf32, #tpu.memory_space<vmem>>
        %dma_wait3A_274 = tpu.memref_squeeze %dma_wait3A_273 : memref<1x256x64xf32, #tpu.memory_space<vmem>> -> memref<256x64xf32, #tpu.memory_space<vmem>>
        %dma_wait3A_275 = arith.constant 0 : i32
        %dma_wait3A_276 = tpu.memref_slice %arg4[%add3A_268, %dma_wait3A_275] : memref<819200x128xf32, #tpu.memory_space<hbm>> -> memref<256x64xf32, #tpu.memory_space<hbm>>
        %dma_wait3A_277 = tpu.memref_slice %arg8[%dma_wait3A_270] : memref<4x!tpu.dma_semaphore, #tpu.memory_space<semaphore_mem>> -> memref<1x!tpu.dma_semaphore, #tpu.memory_space<semaphore_mem>>
        %dma_wait3A_278 = tpu.memref_squeeze %dma_wait3A_277 : memref<1x!tpu.dma_semaphore, #tpu.memory_space<semaphore_mem>> -> memref<!tpu.dma_semaphore, #tpu.memory_space<semaphore_mem>>
        %dma_wait3A_279 = arith.constant 0 : i32
        %dma_wait3A_280 = tpu.memref_slice %arg4[%add3A_268, %dma_wait3A_279] : memref<819200x128xf32, #tpu.memory_space<hbm>> -> memref<256x64xf32, #tpu.memory_space<hbm>>
        %dma_wait3A_281 = arith.constant 0 : i32
        %dma_wait3A_282 = arith.constant 0 : i32
        %dma_wait3A_283 = tpu.memref_slice %arg6[%dma_wait3A_269, %dma_wait3A_281, %dma_wait3A_282] : memref<4x256x64xf32, #tpu.memory_space<vmem>> -> memref<1x256x64xf32, #tpu.memory_space<vmem>>
        %dma_wait3A_284 = tpu.memref_squeeze %dma_wait3A_283 : memref<1x256x64xf32, #tpu.memory_space<vmem>> -> memref<256x64xf32, #tpu.memory_space<vmem>>
        tpu.wait_dma2 semaphore(%dma_wait3A_278 : memref<!tpu.dma_semaphore, #tpu.memory_space<semaphore_mem>>) src(%dma_wait3A_284 : memref<256x64xf32, #tpu.memory_space<vmem>>) dst(%dma_wait3A_280 : memref<256x64xf32, #tpu.memory_space<hbm>>)
      } else {
      }
      %lt3A = arith.constant 100 : i32
      %lt3A_81 = arith.cmpi slt, %add3A_78, %lt3A : i32
      %convert_element_type3A_82 = arith.extui %lt3A_81 : i1 to i32
      %cond3A_83 = arith.constant 0 : i32
      %cond3A_84 = arith.cmpi ne, %convert_element_type3A_82, %cond3A_83 : i32
      scf.if %cond3A_84 {
        %dma_start3A_265 = arith.constant 2 : i32
        %dma_start3A_266 = arith.constant 2 : i32
        %dma_start3A_267 = arith.constant 0 : i32
        %dma_start3A_268 = arith.constant 0 : i32
        %dma_start3A_269 = tpu.memref_slice %arg6[%dma_start3A_265, %dma_start3A_267, %dma_start3A_268] : memref<4x256x64xf32, #tpu.memory_space<vmem>> -> memref<1x256x64xf32, #tpu.memory_space<vmem>>
        %dma_start3A_270 = tpu.memref_squeeze %dma_start3A_269 : memref<1x256x64xf32, #tpu.memory_space<vmem>> -> memref<256x64xf32, #tpu.memory_space<vmem>>
        %dma_start3A_271 = arith.constant 0 : i32
        %dma_start3A_272 = tpu.memref_slice %arg5[%add3A_78, %dma_start3A_271] : memref<100x256xi32, #tpu.memory_space<vmem>> -> memref<1x256xi32, #tpu.memory_space<vmem>>
        %dma_start3A_273 = tpu.memref_squeeze %dma_start3A_272 : memref<1x256xi32, #tpu.memory_space<vmem>> -> memref<256xi32, #tpu.memory_space<vmem>>
        %dma_start3A_274 = arith.constant 0 : i32
        %dma_start3A_275 = arith.constant 0 : i32
        %dma_start3A_276 = tpu.memref_slice %arg3[%dma_start3A_274, %dma_start3A_275] : memref<1000000x64xf32, #tpu.memory_space<hbm>> -> memref<1000000x64xf32, #tpu.memory_space<hbm>>
        %dma_start3A_277 = tpu.memref_slice %arg7[%dma_start3A_266] : memref<4x!tpu.dma_semaphore, #tpu.memory_space<semaphore_mem>> -> memref<1x!tpu.dma_semaphore, #tpu.memory_space<semaphore_mem>>
        %dma_start3A_278 = tpu.memref_squeeze %dma_start3A_277 : memref<1x!tpu.dma_semaphore, #tpu.memory_space<semaphore_mem>> -> memref<!tpu.dma_semaphore, #tpu.memory_space<semaphore_mem>>
        tpu.enqueue_indirect_dma source(%dma_start3A_276 : memref<1000000x64xf32, #tpu.memory_space<hbm>>) target(%dma_start3A_270 : memref<256x64xf32, #tpu.memory_space<vmem>>) offsets(%dma_start3A_273 : memref<256xi32, #tpu.memory_space<vmem>>) semaphore(%dma_start3A_278 : memref<!tpu.dma_semaphore, #tpu.memory_space<semaphore_mem>>)
      } else {
      }
      %dma_wait3A_85 = arith.constant 0 : i32
      %dma_wait3A_86 = arith.constant 0 : i32
      %dma_wait3A_87 = arith.constant 0 : i32
      %dma_wait3A_88 = arith.constant 0 : i32
      %dma_wait3A_89 = tpu.memref_slice %arg6[%dma_wait3A_85, %dma_wait3A_87, %dma_wait3A_88] : memref<4x256x64xf32, #tpu.memory_space<vmem>> -> memref<1x256x64xf32, #tpu.memory_space<vmem>>
      %dma_wait3A_90 = tpu.memref_squeeze %dma_wait3A_89 : memref<1x256x64xf32, #tpu.memory_space<vmem>> -> memref<256x64xf32, #tpu.memory_space<vmem>>
      %dma_wait3A_91 = arith.constant 0 : i32
      %dma_wait3A_92 = tpu.memref_slice %arg5[%add3A_76, %dma_wait3A_91] : memref<100x256xi32, #tpu.memory_space<vmem>> -> memref<1x256xi32, #tpu.memory_space<vmem>>
      %dma_wait3A_93 = tpu.memref_squeeze %dma_wait3A_92 : memref<1x256xi32, #tpu.memory_space<vmem>> -> memref<256xi32, #tpu.memory_space<vmem>>
      %dma_wait3A_94 = arith.constant 0 : i32
      %dma_wait3A_95 = arith.constant 0 : i32
      %dma_wait3A_96 = tpu.memref_slice %arg3[%dma_wait3A_94, %dma_wait3A_95] : memref<1000000x64xf32, #tpu.memory_space<hbm>> -> memref<1000000x64xf32, #tpu.memory_space<hbm>>
      %dma_wait3A_97 = tpu.memref_slice %arg7[%dma_wait3A_86] : memref<4x!tpu.dma_semaphore, #tpu.memory_space<semaphore_mem>> -> memref<1x!tpu.dma_semaphore, #tpu.memory_space<semaphore_mem>>
      %dma_wait3A_98 = tpu.memref_squeeze %dma_wait3A_97 : memref<1x!tpu.dma_semaphore, #tpu.memory_space<semaphore_mem>> -> memref<!tpu.dma_semaphore, #tpu.memory_space<semaphore_mem>>
      tpu.wait_indirect_dma semaphore(%dma_wait3A_98 : memref<!tpu.dma_semaphore, #tpu.memory_space<semaphore_mem>>) src(%dma_wait3A_96 : memref<1000000x64xf32, #tpu.memory_space<hbm>>) dst(%dma_wait3A_90 : memref<256x64xf32, #tpu.memory_space<vmem>>)
      %mul3A_99 = arith.constant 256 : i32
      %mul3A_100 = arith.muli %add3A_76, %mul3A_99 : i32
      %add3A_101 = arith.addi %mul3A_2, %mul3A_100 : i32
      %dma_start3A_102 = arith.constant 0 : i32
      %dma_start3A_103 = arith.constant 0 : i32
      %dma_start3A_104 = arith.constant 0 : i32
      %dma_start3A_105 = arith.constant 0 : i32
      %dma_start3A_106 = tpu.memref_slice %arg6[%dma_start3A_102, %dma_start3A_104, %dma_start3A_105] : memref<4x256x64xf32, #tpu.memory_space<vmem>> -> memref<1x256x64xf32, #tpu.memory_space<vmem>>
      %dma_start3A_107 = tpu.memref_squeeze %dma_start3A_106 : memref<1x256x64xf32, #tpu.memory_space<vmem>> -> memref<256x64xf32, #tpu.memory_space<vmem>>
      %dma_start3A_108 = arith.constant 0 : i32
      %dma_start3A_109 = tpu.memref_slice %arg4[%add3A_101, %dma_start3A_108] : memref<819200x128xf32, #tpu.memory_space<hbm>> -> memref<256x64xf32, #tpu.memory_space<hbm>>
      %dma_start3A_110 = tpu.memref_slice %arg8[%dma_start3A_103] : memref<4x!tpu.dma_semaphore, #tpu.memory_space<semaphore_mem>> -> memref<1x!tpu.dma_semaphore, #tpu.memory_space<semaphore_mem>>
      %dma_start3A_111 = tpu.memref_squeeze %dma_start3A_110 : memref<1x!tpu.dma_semaphore, #tpu.memory_space<semaphore_mem>> -> memref<!tpu.dma_semaphore, #tpu.memory_space<semaphore_mem>>
      %dma_start3A_112 = arith.constant 0 : i32
      %dma_start3A_113 = tpu.memref_slice %arg4[%add3A_101, %dma_start3A_112] : memref<819200x128xf32, #tpu.memory_space<hbm>> -> memref<256x64xf32, #tpu.memory_space<hbm>>
      %dma_start3A_114 = arith.constant 0 : i32
      %dma_start3A_115 = arith.constant 0 : i32
      %dma_start3A_116 = tpu.memref_slice %arg6[%dma_start3A_102, %dma_start3A_114, %dma_start3A_115] : memref<4x256x64xf32, #tpu.memory_space<vmem>> -> memref<1x256x64xf32, #tpu.memory_space<vmem>>
      %dma_start3A_117 = tpu.memref_squeeze %dma_start3A_116 : memref<1x256x64xf32, #tpu.memory_space<vmem>> -> memref<256x64xf32, #tpu.memory_space<vmem>>
      tpu.enqueue_dma source(%dma_start3A_117 : memref<256x64xf32, #tpu.memory_space<vmem>>) target(%dma_start3A_113 : memref<256x64xf32, #tpu.memory_space<hbm>>) target_semaphore(%dma_start3A_111 : memref<!tpu.dma_semaphore, #tpu.memory_space<semaphore_mem>>)
      %mul3A_118 = arith.constant 4 : i32
      %mul3A_119 = arith.muli %scan3A_72, %mul3A_118 : i32
      %add3A_120 = arith.constant 1 : i32
      %add3A_121 = arith.addi %mul3A_119, %add3A_120 : i32
      %add3A_122 = arith.constant 2 : i32
      %add3A_123 = arith.addi %add3A_121, %add3A_122 : i32
      %ge3A_124 = arith.constant 4 : i32
      %ge3A_125 = arith.cmpi sge, %add3A_123, %ge3A_124 : i32
      %convert_element_type3A_126 = arith.extui %ge3A_125 : i1 to i32
      %cond3A_127 = arith.constant 0 : i32
      %cond3A_128 = arith.cmpi ne, %convert_element_type3A_126, %cond3A_127 : i32
      scf.if %cond3A_128 {
        %sub3A = arith.constant 4 : i32
        %sub3A_265 = arith.subi %add3A_123, %sub3A : i32
        %mul3A_266 = arith.constant 256 : i32
        %mul3A_267 = arith.muli %sub3A_265, %mul3A_266 : i32
        %add3A_268 = arith.addi %mul3A_2, %mul3A_267 : i32
        %dma_wait3A_269 = arith.constant 3 : i32
        %dma_wait3A_270 = arith.constant 3 : i32
        %dma_wait3A_271 = arith.constant 0 : i32
        %dma_wait3A_272 = arith.constant 0 : i32
        %dma_wait3A_273 = tpu.memref_slice %arg6[%dma_wait3A_269, %dma_wait3A_271, %dma_wait3A_272] : memref<4x256x64xf32, #tpu.memory_space<vmem>> -> memref<1x256x64xf32, #tpu.memory_space<vmem>>
        %dma_wait3A_274 = tpu.memref_squeeze %dma_wait3A_273 : memref<1x256x64xf32, #tpu.memory_space<vmem>> -> memref<256x64xf32, #tpu.memory_space<vmem>>
        %dma_wait3A_275 = arith.constant 0 : i32
        %dma_wait3A_276 = tpu.memref_slice %arg4[%add3A_268, %dma_wait3A_275] : memref<819200x128xf32, #tpu.memory_space<hbm>> -> memref<256x64xf32, #tpu.memory_space<hbm>>
        %dma_wait3A_277 = tpu.memref_slice %arg8[%dma_wait3A_270] : memref<4x!tpu.dma_semaphore, #tpu.memory_space<semaphore_mem>> -> memref<1x!tpu.dma_semaphore, #tpu.memory_space<semaphore_mem>>
        %dma_wait3A_278 = tpu.memref_squeeze %dma_wait3A_277 : memref<1x!tpu.dma_semaphore, #tpu.memory_space<semaphore_mem>> -> memref<!tpu.dma_semaphore, #tpu.memory_space<semaphore_mem>>
        %dma_wait3A_279 = arith.constant 0 : i32
        %dma_wait3A_280 = tpu.memref_slice %arg4[%add3A_268, %dma_wait3A_279] : memref<819200x128xf32, #tpu.memory_space<hbm>> -> memref<256x64xf32, #tpu.memory_space<hbm>>
        %dma_wait3A_281 = arith.constant 0 : i32
        %dma_wait3A_282 = arith.constant 0 : i32
        %dma_wait3A_283 = tpu.memref_slice %arg6[%dma_wait3A_269, %dma_wait3A_281, %dma_wait3A_282] : memref<4x256x64xf32, #tpu.memory_space<vmem>> -> memref<1x256x64xf32, #tpu.memory_space<vmem>>
        %dma_wait3A_284 = tpu.memref_squeeze %dma_wait3A_283 : memref<1x256x64xf32, #tpu.memory_space<vmem>> -> memref<256x64xf32, #tpu.memory_space<vmem>>
        tpu.wait_dma2 semaphore(%dma_wait3A_278 : memref<!tpu.dma_semaphore, #tpu.memory_space<semaphore_mem>>) src(%dma_wait3A_284 : memref<256x64xf32, #tpu.memory_space<vmem>>) dst(%dma_wait3A_280 : memref<256x64xf32, #tpu.memory_space<hbm>>)
      } else {
      }
      %lt3A_129 = arith.constant 100 : i32
      %lt3A_130 = arith.cmpi slt, %add3A_123, %lt3A_129 : i32
      %convert_element_type3A_131 = arith.extui %lt3A_130 : i1 to i32
      %cond3A_132 = arith.constant 0 : i32
      %cond3A_133 = arith.cmpi ne, %convert_element_type3A_131, %cond3A_132 : i32
      scf.if %cond3A_133 {
        %dma_start3A_265 = arith.constant 3 : i32
        %dma_start3A_266 = arith.constant 3 : i32
        %dma_start3A_267 = arith.constant 0 : i32
        %dma_start3A_268 = arith.constant 0 : i32
        %dma_start3A_269 = tpu.memref_slice %arg6[%dma_start3A_265, %dma_start3A_267, %dma_start3A_268] : memref<4x256x64xf32, #tpu.memory_space<vmem>> -> memref<1x256x64xf32, #tpu.memory_space<vmem>>
        %dma_start3A_270 = tpu.memref_squeeze %dma_start3A_269 : memref<1x256x64xf32, #tpu.memory_space<vmem>> -> memref<256x64xf32, #tpu.memory_space<vmem>>
        %dma_start3A_271 = arith.constant 0 : i32
        %dma_start3A_272 = tpu.memref_slice %arg5[%add3A_123, %dma_start3A_271] : memref<100x256xi32, #tpu.memory_space<vmem>> -> memref<1x256xi32, #tpu.memory_space<vmem>>
        %dma_start3A_273 = tpu.memref_squeeze %dma_start3A_272 : memref<1x256xi32, #tpu.memory_space<vmem>> -> memref<256xi32, #tpu.memory_space<vmem>>
        %dma_start3A_274 = arith.constant 0 : i32
        %dma_start3A_275 = arith.constant 0 : i32
        %dma_start3A_276 = tpu.memref_slice %arg3[%dma_start3A_274, %dma_start3A_275] : memref<1000000x64xf32, #tpu.memory_space<hbm>> -> memref<1000000x64xf32, #tpu.memory_space<hbm>>
        %dma_start3A_277 = tpu.memref_slice %arg7[%dma_start3A_266] : memref<4x!tpu.dma_semaphore, #tpu.memory_space<semaphore_mem>> -> memref<1x!tpu.dma_semaphore, #tpu.memory_space<semaphore_mem>>
        %dma_start3A_278 = tpu.memref_squeeze %dma_start3A_277 : memref<1x!tpu.dma_semaphore, #tpu.memory_space<semaphore_mem>> -> memref<!tpu.dma_semaphore, #tpu.memory_space<semaphore_mem>>
        tpu.enqueue_indirect_dma source(%dma_start3A_276 : memref<1000000x64xf32, #tpu.memory_space<hbm>>) target(%dma_start3A_270 : memref<256x64xf32, #tpu.memory_space<vmem>>) offsets(%dma_start3A_273 : memref<256xi32, #tpu.memory_space<vmem>>) semaphore(%dma_start3A_278 : memref<!tpu.dma_semaphore, #tpu.memory_space<semaphore_mem>>)
      } else {
      }
      %dma_wait3A_134 = arith.constant 1 : i32
      %dma_wait3A_135 = arith.constant 1 : i32
      %dma_wait3A_136 = arith.constant 0 : i32
      %dma_wait3A_137 = arith.constant 0 : i32
      %dma_wait3A_138 = tpu.memref_slice %arg6[%dma_wait3A_134, %dma_wait3A_136, %dma_wait3A_137] : memref<4x256x64xf32, #tpu.memory_space<vmem>> -> memref<1x256x64xf32, #tpu.memory_space<vmem>>
      %dma_wait3A_139 = tpu.memref_squeeze %dma_wait3A_138 : memref<1x256x64xf32, #tpu.memory_space<vmem>> -> memref<256x64xf32, #tpu.memory_space<vmem>>
      %dma_wait3A_140 = arith.constant 0 : i32
      %dma_wait3A_141 = tpu.memref_slice %arg5[%add3A_121, %dma_wait3A_140] : memref<100x256xi32, #tpu.memory_space<vmem>> -> memref<1x256xi32, #tpu.memory_space<vmem>>
      %dma_wait3A_142 = tpu.memref_squeeze %dma_wait3A_141 : memref<1x256xi32, #tpu.memory_space<vmem>> -> memref<256xi32, #tpu.memory_space<vmem>>
      %dma_wait3A_143 = arith.constant 0 : i32
      %dma_wait3A_144 = arith.constant 0 : i32
      %dma_wait3A_145 = tpu.memref_slice %arg3[%dma_wait3A_143, %dma_wait3A_144] : memref<1000000x64xf32, #tpu.memory_space<hbm>> -> memref<1000000x64xf32, #tpu.memory_space<hbm>>
      %dma_wait3A_146 = tpu.memref_slice %arg7[%dma_wait3A_135] : memref<4x!tpu.dma_semaphore, #tpu.memory_space<semaphore_mem>> -> memref<1x!tpu.dma_semaphore, #tpu.memory_space<semaphore_mem>>
      %dma_wait3A_147 = tpu.memref_squeeze %dma_wait3A_146 : memref<1x!tpu.dma_semaphore, #tpu.memory_space<semaphore_mem>> -> memref<!tpu.dma_semaphore, #tpu.memory_space<semaphore_mem>>
      tpu.wait_indirect_dma semaphore(%dma_wait3A_147 : memref<!tpu.dma_semaphore, #tpu.memory_space<semaphore_mem>>) src(%dma_wait3A_145 : memref<1000000x64xf32, #tpu.memory_space<hbm>>) dst(%dma_wait3A_139 : memref<256x64xf32, #tpu.memory_space<vmem>>)
      %mul3A_148 = arith.constant 256 : i32
      %mul3A_149 = arith.muli %add3A_121, %mul3A_148 : i32
      %add3A_150 = arith.addi %mul3A_2, %mul3A_149 : i32
      %dma_start3A_151 = arith.constant 1 : i32
      %dma_start3A_152 = arith.constant 1 : i32
      %dma_start3A_153 = arith.constant 0 : i32
      %dma_start3A_154 = arith.constant 0 : i32
      %dma_start3A_155 = tpu.memref_slice %arg6[%dma_start3A_151, %dma_start3A_153, %dma_start3A_154] : memref<4x256x64xf32, #tpu.memory_space<vmem>> -> memref<1x256x64xf32, #tpu.memory_space<vmem>>
      %dma_start3A_156 = tpu.memref_squeeze %dma_start3A_155 : memref<1x256x64xf32, #tpu.memory_space<vmem>> -> memref<256x64xf32, #tpu.memory_space<vmem>>
      %dma_start3A_157 = arith.constant 0 : i32
      %dma_start3A_158 = tpu.memref_slice %arg4[%add3A_150, %dma_start3A_157] : memref<819200x128xf32, #tpu.memory_space<hbm>> -> memref<256x64xf32, #tpu.memory_space<hbm>>
      %dma_start3A_159 = tpu.memref_slice %arg8[%dma_start3A_152] : memref<4x!tpu.dma_semaphore, #tpu.memory_space<semaphore_mem>> -> memref<1x!tpu.dma_semaphore, #tpu.memory_space<semaphore_mem>>
      %dma_start3A_160 = tpu.memref_squeeze %dma_start3A_159 : memref<1x!tpu.dma_semaphore, #tpu.memory_space<semaphore_mem>> -> memref<!tpu.dma_semaphore, #tpu.memory_space<semaphore_mem>>
      %dma_start3A_161 = arith.constant 0 : i32
      %dma_start3A_162 = tpu.memref_slice %arg4[%add3A_150, %dma_start3A_161] : memref<819200x128xf32, #tpu.memory_space<hbm>> -> memref<256x64xf32, #tpu.memory_space<hbm>>
      %dma_start3A_163 = arith.constant 0 : i32
      %dma_start3A_164 = arith.constant 0 : i32
      %dma_start3A_165 = tpu.memref_slice %arg6[%dma_start3A_151, %dma_start3A_163, %dma_start3A_164] : memref<4x256x64xf32, #tpu.memory_space<vmem>> -> memref<1x256x64xf32, #tpu.memory_space<vmem>>
      %dma_start3A_166 = tpu.memref_squeeze %dma_start3A_165 : memref<1x256x64xf32, #tpu.memory_space<vmem>> -> memref<256x64xf32, #tpu.memory_space<vmem>>
      tpu.enqueue_dma source(%dma_start3A_166 : memref<256x64xf32, #tpu.memory_space<vmem>>) target(%dma_start3A_162 : memref<256x64xf32, #tpu.memory_space<hbm>>) target_semaphore(%dma_start3A_160 : memref<!tpu.dma_semaphore, #tpu.memory_space<semaphore_mem>>)
      %mul3A_167 = arith.constant 4 : i32
      %mul3A_168 = arith.muli %scan3A_72, %mul3A_167 : i32
      %add3A_169 = arith.constant 2 : i32
      %add3A_170 = arith.addi %mul3A_168, %add3A_169 : i32
      %add3A_171 = arith.constant 2 : i32
      %add3A_172 = arith.addi %add3A_170, %add3A_171 : i32
      %ge3A_173 = arith.constant 4 : i32
      %ge3A_174 = arith.cmpi sge, %add3A_172, %ge3A_173 : i32
      %convert_element_type3A_175 = arith.extui %ge3A_174 : i1 to i32
      %cond3A_176 = arith.constant 0 : i32
      %cond3A_177 = arith.cmpi ne, %convert_element_type3A_175, %cond3A_176 : i32
      scf.if %cond3A_177 {
        %sub3A = arith.constant 4 : i32
        %sub3A_265 = arith.subi %add3A_172, %sub3A : i32
        %mul3A_266 = arith.constant 256 : i32
        %mul3A_267 = arith.muli %sub3A_265, %mul3A_266 : i32
        %add3A_268 = arith.addi %mul3A_2, %mul3A_267 : i32
        %dma_wait3A_269 = arith.constant 0 : i32
        %dma_wait3A_270 = arith.constant 0 : i32
        %dma_wait3A_271 = arith.constant 0 : i32
        %dma_wait3A_272 = arith.constant 0 : i32
        %dma_wait3A_273 = tpu.memref_slice %arg6[%dma_wait3A_269, %dma_wait3A_271, %dma_wait3A_272] : memref<4x256x64xf32, #tpu.memory_space<vmem>> -> memref<1x256x64xf32, #tpu.memory_space<vmem>>
        %dma_wait3A_274 = tpu.memref_squeeze %dma_wait3A_273 : memref<1x256x64xf32, #tpu.memory_space<vmem>> -> memref<256x64xf32, #tpu.memory_space<vmem>>
        %dma_wait3A_275 = arith.constant 0 : i32
        %dma_wait3A_276 = tpu.memref_slice %arg4[%add3A_268, %dma_wait3A_275] : memref<819200x128xf32, #tpu.memory_space<hbm>> -> memref<256x64xf32, #tpu.memory_space<hbm>>
        %dma_wait3A_277 = tpu.memref_slice %arg8[%dma_wait3A_270] : memref<4x!tpu.dma_semaphore, #tpu.memory_space<semaphore_mem>> -> memref<1x!tpu.dma_semaphore, #tpu.memory_space<semaphore_mem>>
        %dma_wait3A_278 = tpu.memref_squeeze %dma_wait3A_277 : memref<1x!tpu.dma_semaphore, #tpu.memory_space<semaphore_mem>> -> memref<!tpu.dma_semaphore, #tpu.memory_space<semaphore_mem>>
        %dma_wait3A_279 = arith.constant 0 : i32
        %dma_wait3A_280 = tpu.memref_slice %arg4[%add3A_268, %dma_wait3A_279] : memref<819200x128xf32, #tpu.memory_space<hbm>> -> memref<256x64xf32, #tpu.memory_space<hbm>>
        %dma_wait3A_281 = arith.constant 0 : i32
        %dma_wait3A_282 = arith.constant 0 : i32
        %dma_wait3A_283 = tpu.memref_slice %arg6[%dma_wait3A_269, %dma_wait3A_281, %dma_wait3A_282] : memref<4x256x64xf32, #tpu.memory_space<vmem>> -> memref<1x256x64xf32, #tpu.memory_space<vmem>>
        %dma_wait3A_284 = tpu.memref_squeeze %dma_wait3A_283 : memref<1x256x64xf32, #tpu.memory_space<vmem>> -> memref<256x64xf32, #tpu.memory_space<vmem>>
        tpu.wait_dma2 semaphore(%dma_wait3A_278 : memref<!tpu.dma_semaphore, #tpu.memory_space<semaphore_mem>>) src(%dma_wait3A_284 : memref<256x64xf32, #tpu.memory_space<vmem>>) dst(%dma_wait3A_280 : memref<256x64xf32, #tpu.memory_space<hbm>>)
      } else {
      }
      %lt3A_178 = arith.constant 100 : i32
      %lt3A_179 = arith.cmpi slt, %add3A_172, %lt3A_178 : i32
      %convert_element_type3A_180 = arith.extui %lt3A_179 : i1 to i32
      %cond3A_181 = arith.constant 0 : i32
      %cond3A_182 = arith.cmpi ne, %convert_element_type3A_180, %cond3A_181 : i32
      scf.if %cond3A_182 {
        %dma_start3A_265 = arith.constant 0 : i32
        %dma_start3A_266 = arith.constant 0 : i32
        %dma_start3A_267 = arith.constant 0 : i32
        %dma_start3A_268 = arith.constant 0 : i32
        %dma_start3A_269 = tpu.memref_slice %arg6[%dma_start3A_265, %dma_start3A_267, %dma_start3A_268] : memref<4x256x64xf32, #tpu.memory_space<vmem>> -> memref<1x256x64xf32, #tpu.memory_space<vmem>>
        %dma_start3A_270 = tpu.memref_squeeze %dma_start3A_269 : memref<1x256x64xf32, #tpu.memory_space<vmem>> -> memref<256x64xf32, #tpu.memory_space<vmem>>
        %dma_start3A_271 = arith.constant 0 : i32
        %dma_start3A_272 = tpu.memref_slice %arg5[%add3A_172, %dma_start3A_271] : memref<100x256xi32, #tpu.memory_space<vmem>> -> memref<1x256xi32, #tpu.memory_space<vmem>>
        %dma_start3A_273 = tpu.memref_squeeze %dma_start3A_272 : memref<1x256xi32, #tpu.memory_space<vmem>> -> memref<256xi32, #tpu.memory_space<vmem>>
        %dma_start3A_274 = arith.constant 0 : i32
        %dma_start3A_275 = arith.constant 0 : i32
        %dma_start3A_276 = tpu.memref_slice %arg3[%dma_start3A_274, %dma_start3A_275] : memref<1000000x64xf32, #tpu.memory_space<hbm>> -> memref<1000000x64xf32, #tpu.memory_space<hbm>>
        %dma_start3A_277 = tpu.memref_slice %arg7[%dma_start3A_266] : memref<4x!tpu.dma_semaphore, #tpu.memory_space<semaphore_mem>> -> memref<1x!tpu.dma_semaphore, #tpu.memory_space<semaphore_mem>>
        %dma_start3A_278 = tpu.memref_squeeze %dma_start3A_277 : memref<1x!tpu.dma_semaphore, #tpu.memory_space<semaphore_mem>> -> memref<!tpu.dma_semaphore, #tpu.memory_space<semaphore_mem>>
        tpu.enqueue_indirect_dma source(%dma_start3A_276 : memref<1000000x64xf32, #tpu.memory_space<hbm>>) target(%dma_start3A_270 : memref<256x64xf32, #tpu.memory_space<vmem>>) offsets(%dma_start3A_273 : memref<256xi32, #tpu.memory_space<vmem>>) semaphore(%dma_start3A_278 : memref<!tpu.dma_semaphore, #tpu.memory_space<semaphore_mem>>)
      } else {
      }
      %dma_wait3A_183 = arith.constant 2 : i32
      %dma_wait3A_184 = arith.constant 2 : i32
      %dma_wait3A_185 = arith.constant 0 : i32
      %dma_wait3A_186 = arith.constant 0 : i32
      %dma_wait3A_187 = tpu.memref_slice %arg6[%dma_wait3A_183, %dma_wait3A_185, %dma_wait3A_186] : memref<4x256x64xf32, #tpu.memory_space<vmem>> -> memref<1x256x64xf32, #tpu.memory_space<vmem>>
      %dma_wait3A_188 = tpu.memref_squeeze %dma_wait3A_187 : memref<1x256x64xf32, #tpu.memory_space<vmem>> -> memref<256x64xf32, #tpu.memory_space<vmem>>
      %dma_wait3A_189 = arith.constant 0 : i32
      %dma_wait3A_190 = tpu.memref_slice %arg5[%add3A_170, %dma_wait3A_189] : memref<100x256xi32, #tpu.memory_space<vmem>> -> memref<1x256xi32, #tpu.memory_space<vmem>>
      %dma_wait3A_191 = tpu.memref_squeeze %dma_wait3A_190 : memref<1x256xi32, #tpu.memory_space<vmem>> -> memref<256xi32, #tpu.memory_space<vmem>>
      %dma_wait3A_192 = arith.constant 0 : i32
      %dma_wait3A_193 = arith.constant 0 : i32
      %dma_wait3A_194 = tpu.memref_slice %arg3[%dma_wait3A_192, %dma_wait3A_193] : memref<1000000x64xf32, #tpu.memory_space<hbm>> -> memref<1000000x64xf32, #tpu.memory_space<hbm>>
      %dma_wait3A_195 = tpu.memref_slice %arg7[%dma_wait3A_184] : memref<4x!tpu.dma_semaphore, #tpu.memory_space<semaphore_mem>> -> memref<1x!tpu.dma_semaphore, #tpu.memory_space<semaphore_mem>>
      %dma_wait3A_196 = tpu.memref_squeeze %dma_wait3A_195 : memref<1x!tpu.dma_semaphore, #tpu.memory_space<semaphore_mem>> -> memref<!tpu.dma_semaphore, #tpu.memory_space<semaphore_mem>>
      tpu.wait_indirect_dma semaphore(%dma_wait3A_196 : memref<!tpu.dma_semaphore, #tpu.memory_space<semaphore_mem>>) src(%dma_wait3A_194 : memref<1000000x64xf32, #tpu.memory_space<hbm>>) dst(%dma_wait3A_188 : memref<256x64xf32, #tpu.memory_space<vmem>>)
      %mul3A_197 = arith.constant 256 : i32
      %mul3A_198 = arith.muli %add3A_170, %mul3A_197 : i32
      %add3A_199 = arith.addi %mul3A_2, %mul3A_198 : i32
      %dma_start3A_200 = arith.constant 2 : i32
      %dma_start3A_201 = arith.constant 2 : i32
      %dma_start3A_202 = arith.constant 0 : i32
      %dma_start3A_203 = arith.constant 0 : i32
      %dma_start3A_204 = tpu.memref_slice %arg6[%dma_start3A_200, %dma_start3A_202, %dma_start3A_203] : memref<4x256x64xf32, #tpu.memory_space<vmem>> -> memref<1x256x64xf32, #tpu.memory_space<vmem>>
      %dma_start3A_205 = tpu.memref_squeeze %dma_start3A_204 : memref<1x256x64xf32, #tpu.memory_space<vmem>> -> memref<256x64xf32, #tpu.memory_space<vmem>>
      %dma_start3A_206 = arith.constant 0 : i32
      %dma_start3A_207 = tpu.memref_slice %arg4[%add3A_199, %dma_start3A_206] : memref<819200x128xf32, #tpu.memory_space<hbm>> -> memref<256x64xf32, #tpu.memory_space<hbm>>
      %dma_start3A_208 = tpu.memref_slice %arg8[%dma_start3A_201] : memref<4x!tpu.dma_semaphore, #tpu.memory_space<semaphore_mem>> -> memref<1x!tpu.dma_semaphore, #tpu.memory_space<semaphore_mem>>
      %dma_start3A_209 = tpu.memref_squeeze %dma_start3A_208 : memref<1x!tpu.dma_semaphore, #tpu.memory_space<semaphore_mem>> -> memref<!tpu.dma_semaphore, #tpu.memory_space<semaphore_mem>>
      %dma_start3A_210 = arith.constant 0 : i32
      %dma_start3A_211 = tpu.memref_slice %arg4[%add3A_199, %dma_start3A_210] : memref<819200x128xf32, #tpu.memory_space<hbm>> -> memref<256x64xf32, #tpu.memory_space<hbm>>
      %dma_start3A_212 = arith.constant 0 : i32
      %dma_start3A_213 = arith.constant 0 : i32
      %dma_start3A_214 = tpu.memref_slice %arg6[%dma_start3A_200, %dma_start3A_212, %dma_start3A_213] : memref<4x256x64xf32, #tpu.memory_space<vmem>> -> memref<1x256x64xf32, #tpu.memory_space<vmem>>
      %dma_start3A_215 = tpu.memref_squeeze %dma_start3A_214 : memref<1x256x64xf32, #tpu.memory_space<vmem>> -> memref<256x64xf32, #tpu.memory_space<vmem>>
      tpu.enqueue_dma source(%dma_start3A_215 : memref<256x64xf32, #tpu.memory_space<vmem>>) target(%dma_start3A_211 : memref<256x64xf32, #tpu.memory_space<hbm>>) target_semaphore(%dma_start3A_209 : memref<!tpu.dma_semaphore, #tpu.memory_space<semaphore_mem>>)
      %mul3A_216 = arith.constant 4 : i32
      %mul3A_217 = arith.muli %scan3A_72, %mul3A_216 : i32
      %add3A_218 = arith.constant 3 : i32
      %add3A_219 = arith.addi %mul3A_217, %add3A_218 : i32
      %add3A_220 = arith.constant 2 : i32
      %add3A_221 = arith.addi %add3A_219, %add3A_220 : i32
      %ge3A_222 = arith.constant 4 : i32
      %ge3A_223 = arith.cmpi sge, %add3A_221, %ge3A_222 : i32
      %convert_element_type3A_224 = arith.extui %ge3A_223 : i1 to i32
      %cond3A_225 = arith.constant 0 : i32
      %cond3A_226 = arith.cmpi ne, %convert_element_type3A_224, %cond3A_225 : i32
      scf.if %cond3A_226 {
        %sub3A = arith.constant 4 : i32
        %sub3A_265 = arith.subi %add3A_221, %sub3A : i32
        %mul3A_266 = arith.constant 256 : i32
        %mul3A_267 = arith.muli %sub3A_265, %mul3A_266 : i32
        %add3A_268 = arith.addi %mul3A_2, %mul3A_267 : i32
        %dma_wait3A_269 = arith.constant 1 : i32
        %dma_wait3A_270 = arith.constant 1 : i32
        %dma_wait3A_271 = arith.constant 0 : i32
        %dma_wait3A_272 = arith.constant 0 : i32
        %dma_wait3A_273 = tpu.memref_slice %arg6[%dma_wait3A_269, %dma_wait3A_271, %dma_wait3A_272] : memref<4x256x64xf32, #tpu.memory_space<vmem>> -> memref<1x256x64xf32, #tpu.memory_space<vmem>>
        %dma_wait3A_274 = tpu.memref_squeeze %dma_wait3A_273 : memref<1x256x64xf32, #tpu.memory_space<vmem>> -> memref<256x64xf32, #tpu.memory_space<vmem>>
        %dma_wait3A_275 = arith.constant 0 : i32
        %dma_wait3A_276 = tpu.memref_slice %arg4[%add3A_268, %dma_wait3A_275] : memref<819200x128xf32, #tpu.memory_space<hbm>> -> memref<256x64xf32, #tpu.memory_space<hbm>>
        %dma_wait3A_277 = tpu.memref_slice %arg8[%dma_wait3A_270] : memref<4x!tpu.dma_semaphore, #tpu.memory_space<semaphore_mem>> -> memref<1x!tpu.dma_semaphore, #tpu.memory_space<semaphore_mem>>
        %dma_wait3A_278 = tpu.memref_squeeze %dma_wait3A_277 : memref<1x!tpu.dma_semaphore, #tpu.memory_space<semaphore_mem>> -> memref<!tpu.dma_semaphore, #tpu.memory_space<semaphore_mem>>
        %dma_wait3A_279 = arith.constant 0 : i32
        %dma_wait3A_280 = tpu.memref_slice %arg4[%add3A_268, %dma_wait3A_279] : memref<819200x128xf32, #tpu.memory_space<hbm>> -> memref<256x64xf32, #tpu.memory_space<hbm>>
        %dma_wait3A_281 = arith.constant 0 : i32
        %dma_wait3A_282 = arith.constant 0 : i32
        %dma_wait3A_283 = tpu.memref_slice %arg6[%dma_wait3A_269, %dma_wait3A_281, %dma_wait3A_282] : memref<4x256x64xf32, #tpu.memory_space<vmem>> -> memref<1x256x64xf32, #tpu.memory_space<vmem>>
        %dma_wait3A_284 = tpu.memref_squeeze %dma_wait3A_283 : memref<1x256x64xf32, #tpu.memory_space<vmem>> -> memref<256x64xf32, #tpu.memory_space<vmem>>
        tpu.wait_dma2 semaphore(%dma_wait3A_278 : memref<!tpu.dma_semaphore, #tpu.memory_space<semaphore_mem>>) src(%dma_wait3A_284 : memref<256x64xf32, #tpu.memory_space<vmem>>) dst(%dma_wait3A_280 : memref<256x64xf32, #tpu.memory_space<hbm>>)
      } else {
      }
      %lt3A_227 = arith.constant 100 : i32
      %lt3A_228 = arith.cmpi slt, %add3A_221, %lt3A_227 : i32
      %convert_element_type3A_229 = arith.extui %lt3A_228 : i1 to i32
      %cond3A_230 = arith.constant 0 : i32
      %cond3A_231 = arith.cmpi ne, %convert_element_type3A_229, %cond3A_230 : i32
      scf.if %cond3A_231 {
        %dma_start3A_265 = arith.constant 1 : i32
        %dma_start3A_266 = arith.constant 1 : i32
        %dma_start3A_267 = arith.constant 0 : i32
        %dma_start3A_268 = arith.constant 0 : i32
        %dma_start3A_269 = tpu.memref_slice %arg6[%dma_start3A_265, %dma_start3A_267, %dma_start3A_268] : memref<4x256x64xf32, #tpu.memory_space<vmem>> -> memref<1x256x64xf32, #tpu.memory_space<vmem>>
        %dma_start3A_270 = tpu.memref_squeeze %dma_start3A_269 : memref<1x256x64xf32, #tpu.memory_space<vmem>> -> memref<256x64xf32, #tpu.memory_space<vmem>>
        %dma_start3A_271 = arith.constant 0 : i32
        %dma_start3A_272 = tpu.memref_slice %arg5[%add3A_221, %dma_start3A_271] : memref<100x256xi32, #tpu.memory_space<vmem>> -> memref<1x256xi32, #tpu.memory_space<vmem>>
        %dma_start3A_273 = tpu.memref_squeeze %dma_start3A_272 : memref<1x256xi32, #tpu.memory_space<vmem>> -> memref<256xi32, #tpu.memory_space<vmem>>
        %dma_start3A_274 = arith.constant 0 : i32
        %dma_start3A_275 = arith.constant 0 : i32
        %dma_start3A_276 = tpu.memref_slice %arg3[%dma_start3A_274, %dma_start3A_275] : memref<1000000x64xf32, #tpu.memory_space<hbm>> -> memref<1000000x64xf32, #tpu.memory_space<hbm>>
        %dma_start3A_277 = tpu.memref_slice %arg7[%dma_start3A_266] : memref<4x!tpu.dma_semaphore, #tpu.memory_space<semaphore_mem>> -> memref<1x!tpu.dma_semaphore, #tpu.memory_space<semaphore_mem>>
        %dma_start3A_278 = tpu.memref_squeeze %dma_start3A_277 : memref<1x!tpu.dma_semaphore, #tpu.memory_space<semaphore_mem>> -> memref<!tpu.dma_semaphore, #tpu.memory_space<semaphore_mem>>
        tpu.enqueue_indirect_dma source(%dma_start3A_276 : memref<1000000x64xf32, #tpu.memory_space<hbm>>) target(%dma_start3A_270 : memref<256x64xf32, #tpu.memory_space<vmem>>) offsets(%dma_start3A_273 : memref<256xi32, #tpu.memory_space<vmem>>) semaphore(%dma_start3A_278 : memref<!tpu.dma_semaphore, #tpu.memory_space<semaphore_mem>>)
      } else {
      }
      %dma_wait3A_232 = arith.constant 3 : i32
      %dma_wait3A_233 = arith.constant 3 : i32
      %dma_wait3A_234 = arith.constant 0 : i32
      %dma_wait3A_235 = arith.constant 0 : i32
      %dma_wait3A_236 = tpu.memref_slice %arg6[%dma_wait3A_232, %dma_wait3A_234, %dma_wait3A_235] : memref<4x256x64xf32, #tpu.memory_space<vmem>> -> memref<1x256x64xf32, #tpu.memory_space<vmem>>
      %dma_wait3A_237 = tpu.memref_squeeze %dma_wait3A_236 : memref<1x256x64xf32, #tpu.memory_space<vmem>> -> memref<256x64xf32, #tpu.memory_space<vmem>>
      %dma_wait3A_238 = arith.constant 0 : i32
      %dma_wait3A_239 = tpu.memref_slice %arg5[%add3A_219, %dma_wait3A_238] : memref<100x256xi32, #tpu.memory_space<vmem>> -> memref<1x256xi32, #tpu.memory_space<vmem>>
      %dma_wait3A_240 = tpu.memref_squeeze %dma_wait3A_239 : memref<1x256xi32, #tpu.memory_space<vmem>> -> memref<256xi32, #tpu.memory_space<vmem>>
      %dma_wait3A_241 = arith.constant 0 : i32
      %dma_wait3A_242 = arith.constant 0 : i32
      %dma_wait3A_243 = tpu.memref_slice %arg3[%dma_wait3A_241, %dma_wait3A_242] : memref<1000000x64xf32, #tpu.memory_space<hbm>> -> memref<1000000x64xf32, #tpu.memory_space<hbm>>
      %dma_wait3A_244 = tpu.memref_slice %arg7[%dma_wait3A_233] : memref<4x!tpu.dma_semaphore, #tpu.memory_space<semaphore_mem>> -> memref<1x!tpu.dma_semaphore, #tpu.memory_space<semaphore_mem>>
      %dma_wait3A_245 = tpu.memref_squeeze %dma_wait3A_244 : memref<1x!tpu.dma_semaphore, #tpu.memory_space<semaphore_mem>> -> memref<!tpu.dma_semaphore, #tpu.memory_space<semaphore_mem>>
      tpu.wait_indirect_dma semaphore(%dma_wait3A_245 : memref<!tpu.dma_semaphore, #tpu.memory_space<semaphore_mem>>) src(%dma_wait3A_243 : memref<1000000x64xf32, #tpu.memory_space<hbm>>) dst(%dma_wait3A_237 : memref<256x64xf32, #tpu.memory_space<vmem>>)
      %mul3A_246 = arith.constant 256 : i32
      %mul3A_247 = arith.muli %add3A_219, %mul3A_246 : i32
      %add3A_248 = arith.addi %mul3A_2, %mul3A_247 : i32
      %dma_start3A_249 = arith.constant 3 : i32
      %dma_start3A_250 = arith.constant 3 : i32
      %dma_start3A_251 = arith.constant 0 : i32
      %dma_start3A_252 = arith.constant 0 : i32
      %dma_start3A_253 = tpu.memref_slice %arg6[%dma_start3A_249, %dma_start3A_251, %dma_start3A_252] : memref<4x256x64xf32, #tpu.memory_space<vmem>> -> memref<1x256x64xf32, #tpu.memory_space<vmem>>
      %dma_start3A_254 = tpu.memref_squeeze %dma_start3A_253 : memref<1x256x64xf32, #tpu.memory_space<vmem>> -> memref<256x64xf32, #tpu.memory_space<vmem>>
      %dma_start3A_255 = arith.constant 0 : i32
      %dma_start3A_256 = tpu.memref_slice %arg4[%add3A_248, %dma_start3A_255] : memref<819200x128xf32, #tpu.memory_space<hbm>> -> memref<256x64xf32, #tpu.memory_space<hbm>>
      %dma_start3A_257 = tpu.memref_slice %arg8[%dma_start3A_250] : memref<4x!tpu.dma_semaphore, #tpu.memory_space<semaphore_mem>> -> memref<1x!tpu.dma_semaphore, #tpu.memory_space<semaphore_mem>>
      %dma_start3A_258 = tpu.memref_squeeze %dma_start3A_257 : memref<1x!tpu.dma_semaphore, #tpu.memory_space<semaphore_mem>> -> memref<!tpu.dma_semaphore, #tpu.memory_space<semaphore_mem>>
      %dma_start3A_259 = arith.constant 0 : i32
      %dma_start3A_260 = tpu.memref_slice %arg4[%add3A_248, %dma_start3A_259] : memref<819200x128xf32, #tpu.memory_space<hbm>> -> memref<256x64xf32, #tpu.memory_space<hbm>>
      %dma_start3A_261 = arith.constant 0 : i32
      %dma_start3A_262 = arith.constant 0 : i32
      %dma_start3A_263 = tpu.memref_slice %arg6[%dma_start3A_249, %dma_start3A_261, %dma_start3A_262] : memref<4x256x64xf32, #tpu.memory_space<vmem>> -> memref<1x256x64xf32, #tpu.memory_space<vmem>>
      %dma_start3A_264 = tpu.memref_squeeze %dma_start3A_263 : memref<1x256x64xf32, #tpu.memory_space<vmem>> -> memref<256x64xf32, #tpu.memory_space<vmem>>
      tpu.enqueue_dma source(%dma_start3A_264 : memref<256x64xf32, #tpu.memory_space<vmem>>) target(%dma_start3A_260 : memref<256x64xf32, #tpu.memory_space<hbm>>) target_semaphore(%dma_start3A_258 : memref<!tpu.dma_semaphore, #tpu.memory_space<semaphore_mem>>)
    }
    %scan3A_36 = arith.constant 25 : i32
    %add3A_37 = arith.constant 25088 : i32
    %add3A_38 = arith.addi %mul3A_2, %add3A_37 : i32
    %dma_wait3A = arith.constant 2 : i32
    %dma_wait3A_39 = arith.constant 2 : i32
    %dma_wait3A_40 = arith.constant 0 : i32
    %dma_wait3A_41 = arith.constant 0 : i32
    %dma_wait3A_42 = tpu.memref_slice %arg6[%dma_wait3A, %dma_wait3A_40, %dma_wait3A_41] : memref<4x256x64xf32, #tpu.memory_space<vmem>> -> memref<1x256x64xf32, #tpu.memory_space<vmem>>
    %dma_wait3A_43 = tpu.memref_squeeze %dma_wait3A_42 : memref<1x256x64xf32, #tpu.memory_space<vmem>> -> memref<256x64xf32, #tpu.memory_space<vmem>>
    %dma_wait3A_44 = arith.constant 0 : i32
    %dma_wait3A_45 = tpu.memref_slice %arg4[%add3A_38, %dma_wait3A_44] : memref<819200x128xf32, #tpu.memory_space<hbm>> -> memref<256x64xf32, #tpu.memory_space<hbm>>
    %dma_wait3A_46 = tpu.memref_slice %arg8[%dma_wait3A_39] : memref<4x!tpu.dma_semaphore, #tpu.memory_space<semaphore_mem>> -> memref<1x!tpu.dma_semaphore, #tpu.memory_space<semaphore_mem>>
    %dma_wait3A_47 = tpu.memref_squeeze %dma_wait3A_46 : memref<1x!tpu.dma_semaphore, #tpu.memory_space<semaphore_mem>> -> memref<!tpu.dma_semaphore, #tpu.memory_space<semaphore_mem>>
    %dma_wait3A_48 = arith.constant 0 : i32
    %dma_wait3A_49 = tpu.memref_slice %arg4[%add3A_38, %dma_wait3A_48] : memref<819200x128xf32, #tpu.memory_space<hbm>> -> memref<256x64xf32, #tpu.memory_space<hbm>>
    %dma_wait3A_50 = arith.constant 0 : i32
    %dma_wait3A_51 = arith.constant 0 : i32
    %dma_wait3A_52 = tpu.memref_slice %arg6[%dma_wait3A, %dma_wait3A_50, %dma_wait3A_51] : memref<4x256x64xf32, #tpu.memory_space<vmem>> -> memref<1x256x64xf32, #tpu.memory_space<vmem>>
    %dma_wait3A_53 = tpu.memref_squeeze %dma_wait3A_52 : memref<1x256x64xf32, #tpu.memory_space<vmem>> -> memref<256x64xf32, #tpu.memory_space<vmem>>
    tpu.wait_dma2 semaphore(%dma_wait3A_47 : memref<!tpu.dma_semaphore, #tpu.memory_space<semaphore_mem>>) src(%dma_wait3A_53 : memref<256x64xf32, #tpu.memory_space<vmem>>) dst(%dma_wait3A_49 : memref<256x64xf32, #tpu.memory_space<hbm>>)
    %add3A_54 = arith.constant 25344 : i32
    %add3A_55 = arith.addi %mul3A_2, %add3A_54 : i32
    %dma_wait3A_56 = arith.constant 3 : i32
    %dma_wait3A_57 = arith.constant 3 : i32
    %dma_wait3A_58 = arith.constant 0 : i32
    %dma_wait3A_59 = arith.constant 0 : i32
    %dma_wait3A_60 = tpu.memref_slice %arg6[%dma_wait3A_56, %dma_wait3A_58, %dma_wait3A_59] : memref<4x256x64xf32, #tpu.memory_space<vmem>> -> memref<1x256x64xf32, #tpu.memory_space<vmem>>
    %dma_wait3A_61 = tpu.memref_squeeze %dma_wait3A_60 : memref<1x256x64xf32, #tpu.memory_space<vmem>> -> memref<256x64xf32, #tpu.memory_space<vmem>>
    %dma_wait3A_62 = arith.constant 0 : i32
    %dma_wait3A_63 = tpu.memref_slice %arg4[%add3A_55, %dma_wait3A_62] : memref<819200x128xf32, #tpu.memory_space<hbm>> -> memref<256x64xf32, #tpu.memory_space<hbm>>
    %dma_wait3A_64 = tpu.memref_slice %arg8[%dma_wait3A_57] : memref<4x!tpu.dma_semaphore, #tpu.memory_space<semaphore_mem>> -> memref<1x!tpu.dma_semaphore, #tpu.memory_space<semaphore_mem>>
    %dma_wait3A_65 = tpu.memref_squeeze %dma_wait3A_64 : memref<1x!tpu.dma_semaphore, #tpu.memory_space<semaphore_mem>> -> memref<!tpu.dma_semaphore, #tpu.memory_space<semaphore_mem>>
    %dma_wait3A_66 = arith.constant 0 : i32
    %dma_wait3A_67 = tpu.memref_slice %arg4[%add3A_55, %dma_wait3A_66] : memref<819200x128xf32, #tpu.memory_space<hbm>> -> memref<256x64xf32, #tpu.memory_space<hbm>>
    %dma_wait3A_68 = arith.constant 0 : i32
    %dma_wait3A_69 = arith.constant 0 : i32
    %dma_wait3A_70 = tpu.memref_slice %arg6[%dma_wait3A_56, %dma_wait3A_68, %dma_wait3A_69] : memref<4x256x64xf32, #tpu.memory_space<vmem>> -> memref<1x256x64xf32, #tpu.memory_space<vmem>>
    %dma_wait3A_71 = tpu.memref_squeeze %dma_wait3A_70 : memref<1x256x64xf32, #tpu.memory_space<vmem>> -> memref<256x64xf32, #tpu.memory_space<vmem>>
    tpu.wait_dma2 semaphore(%dma_wait3A_65 : memref<!tpu.dma_semaphore, #tpu.memory_space<semaphore_mem>>) src(%dma_wait3A_71 : memref<256x64xf32, #tpu.memory_space<vmem>>) dst(%dma_wait3A_67 : memref<256x64xf32, #tpu.memory_space<hbm>>)
    return
  }
}

</mosaic_0001>

<sc_bundles>
// kernel: _sc_gather.3.cloned.1.call-start
scs
__scs_entry_jumppad:
0x0: {  	(pc) =	sbr.rel $0x88, $3  }
0x1: {  	(tag) =	ssettag $0x0;
	lr =	simm.s32 $0x1  }
0x2: {  	[smem:$0x3F9F] =	sst lr;
	_ =	strace $0xD0000000  }
0x3: {  	_ = 	snop  }
0x4: {  	_ = 	snop  }
0x5: {  	_ = 	snop  }
0x6: {  	_ = 	snop  }
0x7: {  	_ = 	snop  }
__scs_overlays_trampoline_lowered:
0x8: {  	[smem:$0x3FAE] =	sst s0  }
0x9: {  	[smem:$0x3FAF] =	sst s1  }
0xa: {  	[smem:$0x3FB0] =	sst s2  }
0xb: {  	[smem:$0x3FB1] =	sst s3  }
0xc: {  	[smem:$0x3FB2] =	sst s4  }
0xd: {  	[smem:$0x3FB3] =	sst s5  }
0xe: {  	[smem:$0x3FB4] =	sst s6  }
0xf: {  	[smem:$0x3FB5] =	sst s7  }
0x10: {  	[smem:$0x3FB6] =	sst s8  }
0x11: {  	[smem:$0x3FB7] =	sst s9;
	s0 =	simm.s32 @!p0 $0x0  }
0x12: {  	s1 =	sld [smem:$0x3F9D];
	s0 =	simm.s32 @p0 $0x1  }
0x13: {  	[smem:$0x3FB8] =	sst s0;
	s0 =	simm.s32 @!p1 $0x0  }
0x14: {  	s2 =	sld [smem:$0x3F9C];
	s0 =	simm.s32 @p1 $0x1  }
0x15: {  	[smem:$0x3FB9] =	sst s0;
	s0 =	simm.s32 @!p2 $0x0  }
0x16: {  	s3 =	sld [smem:$0x3FDB];
	s0 =	simm.s32 @p2 $0x1  }
0x17: {  	s4 =	simm.s32 $0x1BF5;
	[smem:$0x3FBB] =	sst s0  }
0x18: {  	s0 =	sld [smem:$0x3F9E];
	_ =	swait.ge [sflag:s4], $0x0  }
0x19: {  	s7 =	sld [smem:$0x3F9F]  }
0x1a: {  	s8 =	sadd.s32 $0xFFFFE003, lr  }
0x1b: {  	s9 =	sadd.s32 $0xFFFFFEF7, lr;
	s5 =	simm.s32 $0xFFFFFFFF;
	p2 =	slt.u32 s8, $0xFFFFF086  }
0x1c: {  	p1 =	slt.u32 s9, $0xF7A;
	s5 =	simm.s32 @!p2 $0x0  }
0x1d: {  	s5 =	simm.s32 @p1 $0x1;
	p0 =	seq.s32 s7, s2  }
0x1e: {  	s7 =	smul.u32 @!p0 $0xF7A, s2;
	p2 =	seq.s32 @!p0 s5, $0x0  }
0x1f: {  	s9 =	smul.u32 $0xF7A, s1;
	s8 =	simm.s32 @!p0 $0x1BF5;
	p2 =	por !p2, p0  }
0x20: {  	[sflag:s8] =	ssyncset.s32 @!p0 $0xFFFFF086;
	s6 =	sadd.s32 @!p0 s3, s7;
	s7 =	simm.s32 @!p0 $0x108  }
0x21: {  	s3 =	sadd.s32 s3, s9;
	s6 =	sadd.s32 @!p0 $0x88, s6;
	s7 =	simm.s32 @p2 $0x1082  }
0x22: {  	[simem:s7], [sflag:s8] =	dma.local @!p0 [hbm:s6], $0xF7A  }
0x23: {  	s9 =	sor.u32 $0xD0000000, s2;
	s6 =	simm.s32 $0x108;
	_ =	swait.ge @!p0 [sflag:s8], $0x0  }
0x24: {  	s3 =	sadd.s32 $0x88, s3;
	s6 =	simm.s32 @!p1 $0x1082;
	[sflag:s4] =	ssyncset.s32 $0xFFFFF086  }
0x25: {  	[simem:s6], [sflag:s4] =	dma.local [hbm:s3], $0xF7A  }
0x26: {  	[smem:$0x3F9F] =	sst s1;
	(tag) =	ssettag s2;
	_ =	strace s9  }
0x27: {  	s1 =	sld [smem:$0x3FAF]  }
0x28: {  	s2 =	sld [smem:$0x3FB0]  }
0x29: {  	s4 =	sld [smem:$0x3FB2]  }
0x2a: {  	p0 =	seq.s32 s5, $0x0;
	s5 =	sld [smem:$0x3FB3]  }
0x2b: {  	s6 =	sld [smem:$0x3FB4]  }
0x2c: {  	s7 =	sld [smem:$0x3FB5]  }
0x2d: {  	s3 =	simm.s32 $0x108;
	s8 =	sld [smem:$0x3FB6]  }
0x2e: {  	s3 =	simm.s32 @!p0 $0x1082;
	s9 =	sld [smem:$0x3FB7]  }
0x2f: {  	lr =	sadd.s32 s0, s3;
	s0 =	sld [smem:$0x3FAE]  }
0x30: {  	s3 =	sld [smem:$0x3FB1]  }
0x31: {  	[smem:$0x3FBA] =	sst s10  }
0x32: {  	s10 =	sld [smem:$0x3FB8];
	_ =	sdelay $0x3  }
0x33: {  	p0 =	seq.s32 s10, $0x1;
	s10 =	sld [smem:$0x3FBA];
	_ =	sdelay $0x3  }
0x34: {  	[smem:$0x3FBA] =	sst s10  }
0x35: {  	s10 =	sld [smem:$0x3FB9];
	_ =	sdelay $0x3  }
0x36: {  	p1 =	seq.s32 s10, $0x1;
	s10 =	sld [smem:$0x3FBA];
	_ =	sdelay $0x3  }
0x37: {  	[smem:$0x3FBA] =	sst s10  }
0x38: {  	s10 =	sld [smem:$0x3FBB]  }
0x39: {  	_ = 	snop;
	(pc) =	sbr.ind lr, $3  }
0x3a: {  	_ = 	snop  }
0x3b: {  	_ = 	snop  }
0x3c: {  	p2 =	seq.s32 s10, $0x1;
	s10 =	sld [smem:$0x3FBA]  }
0x3d: {  	_ =	shalt  }
0x3e: {  	_ =	shalt  }
0x3f: {  	_ =	shalt  }
0x40: {  	_ =	shalt  }
0x41: {  	_ =	shalt  }
0x42: {  	_ =	shalt  }
0x43: {  	_ =	shalt  }
0x44: {  	_ =	shalt  }
0x45: {  	_ =	shalt  }
0x46: {  	_ =	shalt  }
0x47: {  	_ =	shalt  }
0x48: {  	_ =	shalt  }
0x49: {  	_ =	shalt  }
0x4a: {  	_ =	shalt  }
0x4b: {  	_ =	shalt  }
0x4c: {  	_ =	shalt  }
0x4d: {  	_ =	shalt  }
0x4e: {  	_ =	shalt  }
0x4f: {  	_ =	shalt  }
0x50: {  	_ =	shalt  }
0x51: {  	_ =	shalt  }
0x52: {  	_ =	shalt  }
0x53: {  	_ =	shalt  }
0x54: {  	_ =	shalt  }
0x55: {  	_ =	shalt  }
0x56: {  	_ =	shalt  }
0x57: {  	_ =	shalt  }
0x58: {  	_ =	shalt  }
0x59: {  	_ =	shalt  }
0x5a: {  	_ =	shalt  }
0x5b: {  	_ =	shalt  }
0x5c: {  	_ =	shalt  }
0x5d: {  	_ =	shalt  }
0x5e: {  	_ =	shalt  }
0x5f: {  	_ =	shalt  }
0x60: {  	_ =	shalt  }
0x61: {  	_ =	shalt  }
0x62: {  	_ =	shalt  }
0x63: {  	_ =	shalt  }
0x64: {  	_ =	shalt  }
0x65: {  	_ =	shalt  }
0x66: {  	_ =	shalt  }
0x67: {  	_ =	shalt  }
0x68: {  	_ =	shalt  }
0x69: {  	_ =	shalt  }
0x6a: {  	_ =	shalt  }
0x6b: {  	_ =	shalt  }
0x6c: {  	_ =	shalt  }
0x6d: {  	_ =	shalt  }
0x6e: {  	_ =	shalt  }
0x6f: {  	_ =	shalt  }
0x70: {  	_ =	shalt  }
0x71: {  	_ =	shalt  }
0x72: {  	_ =	shalt  }
0x73: {  	_ =	shalt  }
0x74: {  	_ =	shalt  }
0x75: {  	_ =	shalt  }
0x76: {  	_ =	shalt  }
0x77: {  	_ =	shalt  }
0x78: {  	_ =	shalt  }
0x79: {  	_ =	shalt  }
0x7a: {  	_ =	shalt  }
0x7b: {  	_ =	shalt  }
0x7c: {  	_ =	shalt  }
0x7d: {  	_ =	shalt  }
0x7e: {  	_ =	shalt  }
0x7f: {  	_ =	shalt  }
0x80: {  	_ =	shalt  }
0x81: {  	_ =	shalt  }
0x82: {  	_ =	shalt  }
0x83: {  	_ =	shalt  }
0x84: {  	_ =	shalt  }
0x85: {  	_ =	shalt  }
0x86: {  	_ =	shalt  }
0x87: {  	_ =	shalt  }
.Lfunc_end0:
.L_simem_size_0:
called_computation_lowered:
.L_overlay_start_0:
0x88: {  	s2 =	sld [smem:$0x3FD9]  }
0x89: {  	s3 =	sld [smem:$0x3FFE];
	_ =	sdelay $0x1  }
0x8a: {  	s1 =	srdreg.scid  }
0x8b: {  	s0 =	sand.u32 $0x1, s1  }
0x8c: {  	s17 =	sshll.u32 s0, $0xA;
	s2 =	sadd.s32 s3, s2  }
0x8d: {  	s2 =	sadd.s32 s2, s17  }
0x8e: {  	[smem:$0x3FC6] =	sst s2  }
0x8f: {  	_ = 	snop  }
0x90: {  	s2 =	sld [smem:$0x3FC9]  }
0x91: {  	s18 =	sld [smem:$0x3FD0];
	(tm) =	ssettm $0x1  }
0x92: {  	s4 =	sld [smem:$0x3FFB];
	_ =	sdelay $0x3  }
0x93: {  	_ =	strace s4  }
0x94: {  	s4 =	sld [smem:$0x3FFC];
	_ =	sdelay $0x3  }
0x95: {  	_ =	strace s4  }
0x96: {  	s4 =	sld [smem:$0x3FFD];
	_ =	sdelay $0x3  }
0x97: {  	_ =	strace s4  }
0x98: {  	_ =	strace $0x8FFFFFFF  }
0x99: {  	s19 =	sld [smem:$0x3FDB];
	_ =	sdelay $0x1  }
0x9a: {  	s5 =	simm.s32 $_scs_section_size  }
0x9b: {  	s6 =	simm.s32 $_size__tile_overlayer_lowered;
	s7 =	simm.s32 $_tile_overlayer_lowered  }
0x9c: {  	s22 =	simm.s32 $0x1BFF;
	s21 =	sshll.u32 s7, $0x1;
	s4 =	sadd.s32 s5, s19  }
0x9d: {  	s8 =	simm.s32 $0x0;
	s20 =	sshll.u32 s6, $0x1;
	s6 =	sadd.s32 s21, s4  }
0x9e: {  	[timem:s8], [sflag:s22] =	dma.local [hbm:s6], s20  }
0x9f: {  	_ =	swait.ge [sflag:s22], s20  }
0xa0: {  	s5 =	ssub.s32 $0x0, s20;
	[sflag:s22] =	ssyncset.done $0x0  }
0xa1: {  	[sflag:s22] =	ssyncadd.s32 s5;
	_ =	sdelay $0x1  }
0xa2: {  	s23 =	simm.s32 $0x1B8B  }
0xa3: {  	_ =	swait.ge [sflag:s23], $0x1  }
0xa4: {  	[sflag:s23] =	ssyncset.done $0x0  }
0xa5: {  	s25 =	simm.s32 $0x1B8E;
	s24 =	sld [smem:$0x3FFE];
	[sflag:s23] =	ssyncadd.s32 $0xFFFFFFFF  }
0xa6: {  	s26 =	simm.s32 $execute0_lowered;
	[smem:$0x3FD2] =	sst s25  }
0xa7: {  	s6 =	sshll.u32 s26, $0x1;
	_ =	strace $0x80000046;
	[dreg:$0x1] =	wrdreg $0xFFFFFFFF  }
0xa8: {  	s28 =	simm.s32 $_size_execute0_lowered;
	s4 =	sadd.s32 s4, s6;
	[dreg:$0x0] =	wrdreg $0x0  }
0xa9: {  	s6 =	sshll.u32 s28, $0x1;
	[dreg:$0x2] =	wrdreg s4  }
0xaa: {  	[dreg:$0x3] =	wrdreg s6  }
0xab: {  	[dreg:$0x4] =	wrdreg $0xC0  }
0xac: {  	_ =	task [dreg:s8], $0x5FFFF  }
0xad: {  	[dreg:$0x1] =	wrdreg $0xFFFFFFFF  }
0xae: {  	[dreg:$0x0] =	wrdreg $0x60  }
0xaf: {  	[dreg:$0x2] =	wrdreg s2  }
0xb0: {  	[dreg:$0x3] =	wrdreg s24  }
0xb1: {  	[dreg:$0x4] =	wrdreg s18  }
0xb2: {  	[dreg:$0x5] =	wrdreg $0x9  }
0xb3: {  	_ =	task.clear_ibuf [dreg:s8], $0x6FFFF;
	_ =	strace $0x90000046  }
0xb4: {  	s29 =	simm.s32 $0x9;
	_ =	strace $0x80000048  }
0xb5: {  	_ =	swait.ge [sflag:s29], $0x1  }
0xb6: {  	[sflag:s29] =	ssyncadd.s32 $0xFFFFFFFF  }
0xb7: {  	_ =	strace $0x90000048  }
0xb8: {  	_ =	sfence  }
0xb9: {  	s30 =	sld [smem:$0x0];
	_ =	sdelay $0x2  }
0xba: {  	s31 =	sshll.u32 s1, $0xD;
	s1 =	sshrl.u32 s1, $0x2  }
0xbb: {  	s3 =	sand.u32 $0x4000, s31;
	s1 =	sadd.s32 s1, s30  }
0xbc: {  	s0 =	sor.u32 s3, s0;
	s1 =	sshll.u32 s1, $0x11  }
0xbd: {  	s0 =	sor.u32 s1, s0  }
0xbe: {  	s0 =	sadd.s32 $0x8F2B, s0  }
0xbf: {  	[sflag:s0] =	ssyncadd.remote.s32 $0x1  }
0xc0: {  	_ =	sfence.sel $0xFFFF  }
0xc1: {  	[dreg:$0x0] =	wrdreg $0xFFFFFFFF;
	(pc) =	sbr.abs _section_cstart, $3  }
0xc2: {  	[dreg:$0x1] =	wrdreg $0xFFFFFFFF  }
0xc3: {  	_ =	task.clear_ibuf [dreg:s8], $0x2FFFF;
	_ =	strace $0x9FFFFFFF  }
0xc4: {  	(tm) =	ssettm $0x7FFFFFFF  }
0xc5: {  	_ =	shalt  }
tec
execute0_lowered:
.L_overlay_start_1:
0x0: {  	(tag) =	ssettag $0x1  }
0x1: {  	s2 =	rddreg [dreg:$0x0]  }
0x2: {  	s0 =	srdreg.scid;
	s3 =	rddreg [dreg:$0x1]  }
0x3: {  	s7 =	stileid.u32;
	s8 =	rddreg [dreg:$0x2];
	s6 =	simm.s32 $0x0  }
0x4: {  	s11 =	simm.s32 $0x100;
	s12 =	simm.s32 $0x6400;
	s13 =	simm.s32 $0xA400  }
0x5: {  	s14 =	simm.s32 $0xE400;
	s15 =	simm.s32 $0x1;
	s16 =	simm.s32 $0x40  }
0x6: {  	s17 =	simm.s32 $0x80;
	s18 =	simm.s32 $0x12400;
	s19 =	simm.s32 $0x2  }
0x7: {  	s20 =	simm.s32 $0x5;
	s21 =	simm.s32 $0x3;
	s22 =	simm.s32 $0x6  }
0x8: {  	s23 =	simm.s32 $0x4;
	s0 =	sand.u32 $0x1, s0;
	s4 =	smul.u32 $0xC8000, s7  }
0x9: {  	s1 =	sshll.u32 s7, $0x1;
	[smem:$0x7FF] =	sst s6;
	s7 =	smul.u32 $0x640000, s7  }
0xa: {  	s3 =	sadd.s32 $0xF42800, s3;
	s1 =	sor.u32 s0, s1;
	s5 =	smul.u32 $0x64000, s0  }
0xb: {  	s25 =	ssub.s32 $0x2, s0;
	_ =	strace $0x80000047;
	s0 =	smul.u32 $0x320000, s0  }
0xc: {  	s1 =	smul.u32 $0xC80, s1;
	s9 =	sshrl.u32 s25, $0x1;
	s26 =	sadd.s32 s4, s8  }
0xd: {  	s6 =	ssub.s32 s25, s9;
	s28 =	sadd.s32 s5, s26;
	s0 =	sadd.s32 s0, s7  }
0xe: {  	s25 =	simm.s32 $0x8;
	s26 =	simm.s32 $0x0;
	s1 =	sadd.s32 s2, s1  }
0xf: {  	s29 =	smax.u32 s6, $0x1;
	s6 =	sadd.s32 $0x1000, s28;
	s30 =	sor.u32 $0x18000, s0  }
0x10: {  	s31 =	sshrl.u32 s0, $0x3;
	s0 =	sor.u32 $0x10000, s0;
	[dreg:$0x4] =	wrdreg s1  }
0x11: {  	[dreg:$0x5] =	wrdreg s29;
	s1 =	sshrl.u32 s30, $0x3;
	s0 =	sshrl.u32 s0, $0x3  }
0x12: {  	s7 =	sadd.s32 s31, s8;
	s2 =	sadd.s32 s1, s8;
	s9 =	sadd.s32 s0, s8  }
.LBB2_1:
0x13: {  	s0 =	simm.s32 $0x0;
	s1 =	rddreg [dreg:$0x4];
	s8 =	simm.s32 $0x9  }
0x14: {  	[tilespmem:s0], [sflag:$0x9] =	stream.linear.gather [hbm4b:s1+s0], $0x6400, $0x38;
	[tilespmem:$0x16400] =	vst v63  }
0x15: {  	_ =	swait.ge [sflag:s8], $0x6400  }
0x16: {  	[sflag:s8] =	ssyncset.done $0x0  }
0x17: {  	p0 =	por $0x1, $0x1;
	[sflag:s8] =	ssyncadd.s32 $0xFFFF9C00  }
0x18: {  	[tilespmem:s12], [sflag:$0x1] =	stream.indirect.gather [hbm4b:s3+s11], $0x40, s0, s11, $0xb8;
	[tilespmem:$0x16400] =	vst v63  }
0x19: {  	s0 =	simm.s32 @!p0 $0x7  }
0x1a: {  	[tilespmem:s13], [sflag:$0x2] =	stream.indirect.gather [hbm4b:s3+s11], $0x40, s11, s11, $0xb8;
	[tilespmem:$0x16400] =	vst v63  }
0x1b: {  	_ =	swait.ge @!p0 [sflag:s0], $0x4000  }
0x1c: {  	[sflag:s0] =	ssyncset.done @!p0 $0x0  }
0x1d: {  	s10 =	simm.s32 $0x200;
	[sflag:s0] =	ssyncadd.s32 @!p0 $0xFFFFC000  }
0x1e: {  	[tilespmem:s14], [sflag:$0x3] =	stream.indirect.gather [hbm4b:s3+s11], $0x40, s10, s11, $0xb8;
	[tilespmem:$0x16400] =	vst v63  }
0x1f: {  	_ =	swait.ge [sflag:s15], $0x4000  }
0x20: {  	[sflag:s15] =	ssyncset.done $0x0  }
0x21: {  	s0 =	simm.s32 @!p0 $0x8;
	[sflag:s15] =	ssyncadd.s32 $0xFFFFC000  }
0x22: {  	[hbm4b:s7+s16] =	stream.strided.scatter [tilespmem:s12], [sflag:$0x5], $0x4000, s17, s16, $0x38;
	[tilespmem:$0x16400] =	vst v63  }
0x23: {  	_ =	swait.ge @!p0 [sflag:s0], $0x4000  }
0x24: {  	[sflag:s0] =	ssyncset.done @!p0 $0x0  }
0x25: {  	s24 =	simm.s32 $0x300;
	[sflag:s0] =	ssyncadd.s32 @!p0 $0xFFFFC000  }
0x26: {  	[tilespmem:s18], [sflag:$0x4] =	stream.indirect.gather [hbm4b:s3+s11], $0x40, s24, s11, $0xb8;
	[tilespmem:$0x16400] =	vst v63  }
0x27: {  	_ =	swait.ge [sflag:s19], $0x4000  }
0x28: {  	[sflag:s19] =	ssyncset.done $0x0  }
0x29: {  	[sflag:s19] =	ssyncadd.s32 $0xFFFFC000  }
0x2a: {  	[hbm4b:s6+s16] =	stream.strided.scatter [tilespmem:s13], [sflag:$0x6], $0x4000, s17, s16, $0x38;
	[tilespmem:$0x16400] =	vst v63  }
0x2b: {  	p0 =	por $0x0, $0x0;
	_ =	swait.ge [sflag:s20], $0x4000  }
0x2c: {  	s0 =	simm.s32 @!p0 $0x6400;
	[sflag:s20] =	ssyncset.done $0x0  }
0x2d: {  	s1 =	simm.s32 @!p0 $0x400;
	s8 =	simm.s32 @!p0 $0x100;
	[sflag:s20] =	ssyncadd.s32 $0xFFFFC000  }
0x2e: {  	[tilespmem:s0], [sflag:$0x1] =	stream.indirect.gather @!p0 [hbm4b:s3+s8], $0x40, s1, s8, $0xb8;
	[tilespmem:$0x16400] =	vst v63  }
0x2f: {  	_ =	swait.ge [sflag:s21], $0x4000  }
0x30: {  	[sflag:s21] =	ssyncset.done $0x0  }
0x31: {  	[sflag:s21] =	ssyncadd.s32 $0xFFFFC000  }
0x32: {  	[hbm4b:s9+s16] =	stream.strided.scatter [tilespmem:s14], [sflag:$0x7], $0x4000, s17, s16, $0x38;
	[tilespmem:$0x16400] =	vst v63  }
0x33: {  	s30 =	simm.s32 $0x1000;
	s29 =	sadd.s32 $0x4000, s9;
	_ =	swait.ge [sflag:s22], $0x4000  }
0x34: {  	p1 =	por $0x0, $0x0;
	s31 =	sadd.s32 $0x4000, s6;
	[sflag:s22] =	ssyncset.done $0x0  }
0x35: {  	s28 =	simm.s32 @!p0 $0xA400;
	s1 =	simm.s32 @!p0 $0x500;
	[sflag:s22] =	ssyncadd.s32 $0xFFFFC000  }
0x36: {  	[tilespmem:s28], [sflag:$0x2] =	stream.indirect.gather @!p0 [hbm4b:s3+s8], $0x40, s1, s8, $0xb8;
	[tilespmem:$0x16400] =	vst v63  }
0x37: {  	s0 =	simm.s32 $0x2000;
	s1 =	sadd.s32 $0x4000, s7;
	_ =	swait.ge [sflag:s23], $0x4000  }
0x38: {  	s28 =	sadd.s32 $0x4000, s2;
	s8 =	smov.u32 s2;
	[sflag:s23] =	ssyncset.done $0x0  }
.LBB2_2:
0x39: {  	s4 =	simm.s32 @!p1 $0x7  }
0x3a: {  	[sflag:s23] =	ssyncadd.s32 $0xFFFFC000;
	s5 =	smov.u32 s0;
	s0 =	sadd.s32 $0x1000, s0  }
0x3b: {  	[hbm4b:s8+s16] =	stream.strided.scatter [tilespmem:s18], [sflag:$0x8], $0x4000, s17, s16, $0x38;
	[tilespmem:$0x16400] =	vst v63  }
0x3c: {  	p0 =	sne.s32 s0, $0x19000;
	s8 =	smov.u32 s28;
	_ =	swait.ge @!p1 [sflag:s4], $0x4000  }
0x3d: {  	s10 =	sshra.s32 s30, $0x2;
	[sflag:s4] =	ssyncset.done @!p1 $0x0  }
0x3e: {  	[sflag:s4] =	ssyncadd.s32 @!p1 $0xFFFFC000;
	s4 =	sadd.s32 $0x200, s10  }
0x3f: {  	[tilespmem:s14], [sflag:$0x3] =	stream.indirect.gather [hbm4b:s3+s11], $0x40, s4, s11, $0xb8;
	[tilespmem:$0x16400] =	vst v63  }
0x40: {  	_ =	swait.ge [sflag:s15], $0x4000  }
0x41: {  	[sflag:s15] =	ssyncset.done $0x0  }
0x42: {  	s4 =	simm.s32 @!p1 $0x8;
	[sflag:s15] =	ssyncadd.s32 $0xFFFFC000  }
0x43: {  	[hbm4b:s1+s16] =	stream.strided.scatter [tilespmem:s12], [sflag:$0x5], $0x4000, s17, s16, $0x38;
	[tilespmem:$0x16400] =	vst v63  }
0x44: {  	_ =	swait.ge @!p1 [sflag:s4], $0x4000  }
0x45: {  	[sflag:s4] =	ssyncset.done @!p1 $0x0  }
0x46: {  	[sflag:s4] =	ssyncadd.s32 @!p1 $0xFFFFC000;
	s4 =	sadd.s32 $0x300, s10  }
0x47: {  	[tilespmem:s18], [sflag:$0x4] =	stream.indirect.gather [hbm4b:s3+s11], $0x40, s4, s11, $0xb8;
	[tilespmem:$0x16400] =	vst v63  }
0x48: {  	_ =	swait.ge [sflag:s19], $0x4000  }
0x49: {  	[sflag:s19] =	ssyncset.done $0x0  }
0x4a: {  	[sflag:s19] =	ssyncadd.s32 $0xFFFFC000  }
0x4b: {  	[hbm4b:s31+s16] =	stream.strided.scatter [tilespmem:s13], [sflag:$0x6], $0x4000, s17, s16, $0x38;
	[tilespmem:$0x16400] =	vst v63  }
0x4c: {  	p1 =	seq.s32 s30, $0x18000;
	_ =	swait.ge [sflag:s20], $0x4000  }
0x4d: {  	s4 =	sshra.s32 @!p1 s30, $0x2;
	s10 =	simm.s32 @!p1 $0x6400;
	[sflag:s20] =	ssyncset.done $0x0  }
0x4e: {  	s24 =	simm.s32 @!p1 $0x100;
	s30 =	sadd.s32 @!p1 $0x400, s4;
	[sflag:s20] =	ssyncadd.s32 $0xFFFFC000  }
0x4f: {  	[tilespmem:s10], [sflag:$0x1] =	stream.indirect.gather @!p1 [hbm4b:s3+s24], $0x40, s30, s24, $0xb8;
	[tilespmem:$0x16400] =	vst v63  }
0x50: {  	s4 =	sadd.s32 @!p1 $0x500, s4;
	s30 =	smov.u32 s5;
	_ =	swait.ge [sflag:s21], $0x4000  }
0x51: {  	[sflag:s21] =	ssyncset.done $0x0  }
0x52: {  	[sflag:s21] =	ssyncadd.s32 $0xFFFFC000  }
0x53: {  	[hbm4b:s29+s16] =	stream.strided.scatter [tilespmem:s14], [sflag:$0x7], $0x4000, s17, s16, $0x38;
	[tilespmem:$0x16400] =	vst v63  }
0x54: {  	_ =	swait.ge [sflag:s22], $0x4000  }
.Ltmp0:
0x55: {  	[sflag:s22] =	ssyncset.done $0x0;
	(pc) =	sbr.rel @p0 .LBB2_2-.Ltmp0, $4  }
0x56: {  	s5 =	simm.s32 @!p1 $0xA400;
	s29 =	sadd.s32 $0x4000, s29;
	[sflag:s22] =	ssyncadd.s32 $0xFFFFC000  }
0x57: {  	[tilespmem:s5], [sflag:$0x2] =	stream.indirect.gather @!p1 [hbm4b:s3+s24], $0x40, s4, s24, $0xb8;
	[tilespmem:$0x16400] =	vst v63  }
0x58: {  	s28 =	sadd.s32 $0x4000, s28;
	s1 =	sadd.s32 $0x4000, s1;
	_ =	swait.ge [sflag:s23], $0x4000  }
0x59: {  	s31 =	sadd.s32 $0x4000, s31;
	p1 =	seq.s32 s30, $0x0;
	[sflag:s23] =	ssyncset.done $0x0  }
0x5a: {  	s0 =	simm.s32 @!p1 $0x7;
	[sflag:s23] =	ssyncadd.s32 $0xFFFFC000  }
0x5b: {  	[hbm4b:s8+s16] =	stream.strided.scatter [tilespmem:s18], [sflag:$0x8], $0x4000, s17, s16, $0x38;
	[tilespmem:$0x16400] =	vst v63  }
0x5c: {  	_ =	swait.ge @!p1 [sflag:s0], $0x4000  }
0x5d: {  	s4 =	sshra.s32 s30, $0x2;
	[sflag:s0] =	ssyncset.done @!p1 $0x0  }
0x5e: {  	s10 =	sadd.s32 $0x200, s4;
	[sflag:s0] =	ssyncadd.s32 @!p1 $0xFFFFC000  }
0x5f: {  	[tilespmem:s14], [sflag:$0x3] =	stream.indirect.gather [hbm4b:s3+s11], $0x40, s10, s11, $0xb8;
	[tilespmem:$0x16400] =	vst v63  }
0x60: {  	_ =	swait.ge [sflag:s15], $0x4000  }
0x61: {  	[sflag:s15] =	ssyncset.done $0x0  }
0x62: {  	s0 =	simm.s32 @!p1 $0x8;
	[sflag:s15] =	ssyncadd.s32 $0xFFFFC000  }
0x63: {  	[hbm4b:s1+s16] =	stream.strided.scatter [tilespmem:s12], [sflag:$0x5], $0x4000, s17, s16, $0x38;
	[tilespmem:$0x16400] =	vst v63  }
0x64: {  	_ =	swait.ge @!p1 [sflag:s0], $0x4000  }
0x65: {  	[sflag:s0] =	ssyncset.done @!p1 $0x0  }
0x66: {  	s24 =	sadd.s32 $0x300, s4;
	[sflag:s0] =	ssyncadd.s32 @!p1 $0xFFFFC000  }
0x67: {  	[tilespmem:s18], [sflag:$0x4] =	stream.indirect.gather [hbm4b:s3+s11], $0x40, s24, s11, $0xb8;
	[tilespmem:$0x16400] =	vst v63  }
0x68: {  	_ =	swait.ge [sflag:s19], $0x4000  }
0x69: {  	[sflag:s19] =	ssyncset.done $0x0  }
0x6a: {  	[sflag:s19] =	ssyncadd.s32 $0xFFFFC000  }
0x6b: {  	[hbm4b:s31+s16] =	stream.strided.scatter [tilespmem:s13], [sflag:$0x6], $0x4000, s17, s16, $0x38;
	[tilespmem:$0x16400] =	vst v63  }
0x6c: {  	p0 =	seq.s32 s30, $0x18000;
	_ =	swait.ge [sflag:s20], $0x4000  }
0x6d: {  	s5 =	simm.s32 @!p0 $0x100;
	s0 =	sshra.s32 @!p0 s30, $0x2;
	[sflag:s20] =	ssyncset.done $0x0  }
0x6e: {  	s1 =	simm.s32 @!p0 $0x6400;
	s4 =	sadd.s32 @!p0 $0x400, s0;
	[sflag:s20] =	ssyncadd.s32 $0xFFFFC000  }
0x6f: {  	[tilespmem:s1], [sflag:$0x1] =	stream.indirect.gather @!p0 [hbm4b:s3+s5], $0x40, s4, s5, $0xb8;
	[tilespmem:$0x16400] =	vst v63  }
0x70: {  	_ =	swait.ge [sflag:s21], $0x4000  }
0x71: {  	[sflag:s21] =	ssyncset.done $0x0  }
0x72: {  	[sflag:s21] =	ssyncadd.s32 $0xFFFFC000  }
0x73: {  	[hbm4b:s29+s16] =	stream.strided.scatter [tilespmem:s14], [sflag:$0x7], $0x4000, s17, s16, $0x38;
	[tilespmem:$0x16400] =	vst v63  }
0x74: {  	_ =	swait.ge [sflag:s22], $0x4000  }
0x75: {  	[sflag:s22] =	ssyncset.done $0x0  }
0x76: {  	s0 =	sadd.s32 @!p0 $0x500, s0;
	s1 =	simm.s32 @!p0 $0xA400;
	[sflag:s22] =	ssyncadd.s32 $0xFFFFC000  }
0x77: {  	[tilespmem:s1], [sflag:$0x2] =	stream.indirect.gather @!p0 [hbm4b:s3+s5], $0x40, s0, s5, $0xb8;
	[tilespmem:$0x16400] =	vst v63  }
0x78: {  	_ =	swait.ge [sflag:s23], $0x4000  }
0x79: {  	[sflag:s23] =	ssyncset.done $0x0  }
0x7a: {  	s30 =	simm.s32 $0x7;
	[sflag:s23] =	ssyncadd.s32 $0xFFFFC000  }
0x7b: {  	[hbm4b:s28+s16] =	stream.strided.scatter [tilespmem:s18], [sflag:$0x8], $0x4000, s17, s16, $0x38;
	[tilespmem:$0x16400] =	vst v63  }
0x7c: {  	_ =	swait.ge [sflag:s30], $0x4000  }
0x7d: {  	[sflag:s30] =	ssyncset.done $0x0  }
0x7e: {  	[sflag:s30] =	ssyncadd.s32 $0xFFFFC000  }
0x7f: {  	_ =	swait.ge [sflag:s25], $0x4000  }
0x80: {  	s26 =	sadd.s32 $0x1, s26;
	s31 =	rddreg [dreg:$0x5]  }
0x81: {  	p0 =	sne.s32 s26, s31  }
.Ltmp1:
0x82: {  	_ = 	snop;
	(pc) =	sbr.rel @p0 .LBB2_1-.Ltmp1, $3  }
0x83: {  	_ =	sdelay $0x1  }
0x84: {  	[sflag:s25] =	ssyncset.done $0x0  }
0x85: {  	[sflag:s25] =	ssyncadd.s32 $0xFFFFC000  }
0x86: {  	_ =	sfence.sel $0x180000  }
0x87: {  	[bflag:$0x0] =	sbarrier.arrive $0xFFFF  }
0x88: {  	_ =	strace $0x90000047  }
0x89: {  	s0 =	stileid.u32;
	[bflag:$0x2] =	sbarrier.arrive $0xFFFF  }
0x8a: {  	p0 =	sne.s32 s0, $0x0;
	s0 =	rddreg [dreg:$0x3]  }
0x8b: {  	s0 =	sadd.s32 @!p0 $0x100000, s0  }
0x8c: {  	[sflag:s0] =	ssyncadd.tile.s32 @!p0 $0x1;
	_ =	shalt  }
.Lfunc_end2:
_tile_overlayer_lowered:
.L_overlay_start_2:
0x8d: {  	(tag) =	ssettag $0x2  }
0x8e: {  	s0 =	rddreg [dreg:$0x0];
	s2 =	stileid.u32  }
0x8f: {  	s1 =	rddreg [dreg:$0x1];
	p0 =	sne.s32 s2, $0x0  }
0x90: {  	s3 =	rddreg [dreg:$0x2];
	[bflag:$0x3] =	sbarrier.arrive $0xFFFF;
	s2 =	simm.s32 @!p0 $0x1C09  }
0x91: {  	[timem:s3], [sflag:s2] =	dma.local @!p0 [hbm:s0], s1  }
0x92: {  	s0 =	simm.s32 @!p0 $0x9  }
0x93: {  	_ =	swait.ge @!p0 [sflag:s0], s1  }
0x94: {  	s1 =	ssub.s32 @!p0 $0x0, s1;
	[sflag:s0] =	ssyncset.done @!p0 $0x0  }
0x95: {  	[sflag:s0] =	ssyncadd.s32 @!p0 s1  }
0x96: {  	[bflag:$0x3] =	sbarrier.arrive $0xFFFF  }
0x97: {  	_ =	shalt  }

</sc_bundles>
